<compile_context>
chip_gen: v7x
topology: tpu7x:2x2x1
jax: 0.10.2.dev20260603
libtpu: 0.0.44.dev20260713+nightly
codegen_flags: <defaults>
</compile_context>

<pallas_src>
import functools

import jax
import jax.numpy as jnp
from jax import lax
from jax.experimental import pallas as pl
from jax.experimental.pallas import tpu as pltpu
from jax.experimental.pallas import tpu_sc as plsc

N = 10000
E = 320000
H = 128

NW = 32
PERW = E // NW
CHM = 80
NCHM = PERW // CHM
NBUF = 3
IO_ROWS = 624
IO_LAST = N - 15 * IO_ROWS
ZROWS = 48


def _segment_sum_sc(e, idxA):
    mesh = plsc.VectorSubcoreMesh(core_axis_name="c", subcore_axis_name="s")

    @functools.partial(
        pl.kernel,
        out_type=jax.ShapeDtypeStruct((2, N, H), jnp.float32),
        mesh=mesh,
        scratch_types=[
            pltpu.VMEM((NBUF, CHM, H), jnp.float32),
            pltpu.VMEM((NCHM, CHM), jnp.int32),
            pltpu.VMEM_SHARED((N, H), jnp.float32),
        ] + [pltpu.SemaphoreType.DMA] * (2 * NBUF),
    )
    def k(e_hbm, idxA_hbm, out_hbm, e_buf, idx_buf, acc, *sems):
        lsem = sems[:NBUF]
        ssem = sems[NBUF:]
        c = lax.axis_index("c")
        s = lax.axis_index("s")
        wid = s * 2 + c
        base = wid * PERW

        for j in range(NBUF - 1):
            pltpu.async_copy(e_hbm.at[pl.ds(base + j * CHM, CHM)],
                             e_buf.at[j], lsem[j])
        pltpu.sync_copy(idxA_hbm.at[1, wid], idx_buf)

        z16 = jnp.zeros((16,), jnp.float32)

        def zrow(r, carry):
            for q in range(H // 16):
                e_buf[2, r, pl.ds(q * 16, 16)] = z16
            return carry

        lax.fori_loop(0, ZROWS, zrow, 0)
        for i in range(IO_ROWS // ZROWS):
            pltpu.sync_copy(
                e_buf.at[2, pl.ds(0, ZROWS)],
                acc.at[pl.ds(s * IO_ROWS + i * ZROWS, ZROWS)])

        @pl.when(s == 15)
        def _():
            pltpu.sync_copy(
                e_buf.at[2, pl.ds(0, IO_LAST - IO_ROWS)],
                acc.at[pl.ds(16 * IO_ROWS, IO_LAST - IO_ROWS)])
        plsc.subcore_barrier()

        def body(g, carry):
            for kk in range(NBUF):
                j = NBUF * g + kk
                kp = (kk + 2) % NBUF
                pltpu.make_async_copy(
                    e_hbm.at[pl.ds(base, CHM)], e_buf.at[kk], lsem[kk]).wait()
                pltpu.async_copy(e_buf.at[kk], acc.at[idx_buf.at[j]],
                                 ssem[kk], add=True)

                @pl.when(j >= 1)
                def _():
                    pltpu.make_async_copy(
                        e_buf.at[kp], acc.at[idx_buf.at[0]], ssem[kp]).wait()

                pltpu.async_copy(
                    e_hbm.at[pl.ds(base + (j + 2) * CHM, CHM)],
                    e_buf.at[kp], lsem[kp])
            return carry

        G = (NCHM - 2) // NBUF
        lax.fori_loop(0, G, body, 0)
        for kk in range(NCHM - NBUF * G):
            j = NBUF * G + kk
            kp = (kk + 2) % NBUF
            pltpu.make_async_copy(
                e_hbm.at[pl.ds(base, CHM)], e_buf.at[kk], lsem[kk]).wait()
            pltpu.async_copy(e_buf.at[kk], acc.at[idx_buf.at[j]],
                             ssem[kk], add=True)
            pltpu.make_async_copy(
                e_buf.at[kp], acc.at[idx_buf.at[0]], ssem[kp]).wait()
        pltpu.make_async_copy(
            e_buf.at[1], acc.at[idx_buf.at[0]], ssem[1]).wait()

        plsc.subcore_barrier()
        pltpu.sync_copy(
            acc.at[pl.ds(s * IO_ROWS, IO_ROWS)],
            out_hbm.at[c, pl.ds(s * IO_ROWS, IO_ROWS)])

        @pl.when(s == 15)
        def _():
            pltpu.sync_copy(
                acc.at[pl.ds(16 * IO_ROWS, IO_LAST - IO_ROWS)],
                out_hbm.at[c, pl.ds(16 * IO_ROWS, IO_LAST - IO_ROWS)])

    return k(e, idxA)


def _dot_nt(a, w):
    return lax.dot_general(a, w, (((1,), (1,)), ((), ())),
                           preferred_element_type=jnp.float32)


def _mlp_body(p_ref, v_ref, w1_ref, b1_ref, w2_ref, b2_ref, wg_ref,
              bg_ref, o_ref):
    shift = jnp.float32(0.6931471805599453)
    su = p_ref[0] + p_ref[1]
    z1 = _dot_nt(su, w1_ref[...]) + b1_ref[...]
    h1 = jnp.maximum(z1, 0.0) + jnp.log1p(jnp.exp(-jnp.abs(z1))) - shift
    h2 = _dot_nt(h1, w2_ref[...]) + b2_ref[...]
    vv = v_ref[...]
    zg = (_dot_nt(vv, wg_ref[:, :H]) + _dot_nt(h2, wg_ref[:, H:])
          + bg_ref[...])
    g = 1.0 / (1.0 + jnp.exp(-zg))
    o_ref[...] = g * vv + (1.0 - g) * h2


def _mlp_update_tc(partials, v, W1, b1, W2, b2, Wg, bg):
    blk = 5000
    grid = N // blk
    full = lambda shape: pl.BlockSpec(shape, lambda i: (0,) * len(shape))
    return pl.pallas_call(
        _mlp_body,
        grid=(grid,),
        in_specs=[
            pl.BlockSpec((2, blk, H), lambda i: (0, i, 0)),
            pl.BlockSpec((blk, H), lambda i: (i, 0)),
            full((H, H)), full((1, H)),
            full((H, H)), full((1, H)),
            full((H, 2 * H)), full((1, H)),
        ],
        out_specs=pl.BlockSpec((blk, H), lambda i: (i, 0)),
        out_shape=jax.ShapeDtypeStruct((N, H), jnp.float32),
    )(partials, v, W1, b1, W2, b2, Wg, bg)


def kernel(v, e, edge_index, W1, b1, W2, b2, Wg, bg):
    ei = edge_index
    if ei.dtype != jnp.int32:
        ei = lax.bitcast_convert_type(ei, jnp.int32)[..., 0]
    idxA = ei.reshape(2, NW, NCHM, CHM)
    partials = _segment_sum_sc(e, idxA)
    return _mlp_update_tc(
        partials, v,
        W1, b1.reshape(1, H),
        W2, b2.reshape(1, H),
        Wg, bg.reshape(1, H),
    )

# --- scband reference (transcript-rebuilt; emitter-appended) ---
"""Pipeline reference for scband-update-v-25950192403285 (READ-ONLY COPY).

The authoritative reference and input builder live on the scoring server;
editing this copy changes nothing except your own understanding.
"""

import jax, jax.numpy as jnp
import numpy as np

N = 10000
E = 320000
H = 128  # hidden_channels
F = 128  # num_filters


def _xavier(key, out_f, in_f):
    limit = float(np.sqrt(6.0 / (in_f + out_f)))
    return jax.random.uniform(key, (out_f, in_f), minval=-limit, maxval=limit, dtype=jnp.float32)


def setup_inputs(seed: int = 0) -> dict:
    key = jax.random.key(seed)
    k1, k2, k3, k4, k5, k6 = jax.random.split(key, 6)
    v = jax.random.normal(k1, (N, H), dtype=jnp.float32)
    e = jax.random.normal(k2, (E, F), dtype=jnp.float32)
    edge_index = jax.random.randint(k3, (2, E), 0, N, dtype=jnp.int64)
    W1 = _xavier(k4, H, F)
    b1 = jnp.zeros((H,), dtype=jnp.float32)
    W2 = _xavier(k5, H, H)
    b2 = jnp.zeros((H,), dtype=jnp.float32)
    Wg = _xavier(k6, H, 2 * H)
    bg = jnp.zeros((H,), dtype=jnp.float32)
    return {"v": v, "e": e, "edge_index": edge_index, "W1": W1, "b1": b1, "W2": W2, "b2": b2, "Wg": Wg, "bg": bg}


def reference(v, e, edge_index, W1, b1, W2, b2, Wg, bg):
    shift = jnp.log(jnp.float32(2.0))
    i = edge_index[1]
    # scatter-add of edge features onto destination nodes
    out = jax.ops.segment_sum(e, i, num_segments=v.shape[0])
    out = out @ W1.T + b1
    out = jax.nn.softplus(out) - shift
    out = out @ W2.T + b2
    # mygru: gated blend of old node state v and new message out
    x = jnp.concatenate((v, out), axis=-1)
    x = x @ Wg.T + bg
    x = jax.nn.sigmoid(x)
    return x * v + (1.0 - x) * out

if __name__ == "__main__":
    import jax
    _d = setup_inputs()
    print(jax.jit(kernel)(*tuple(_d.values())))

</pallas_src>

<mosaic_0001>
#map = affine_map<(d0, d1) -> (0, 0)>
#map1 = affine_map<(d0, d1) -> (0, 0, 0, 0)>
#map2 = affine_map<(d0, d1) -> (0, 0, 0)>
module attributes {stable_mosaic.version = 14 : i64} {
  func.func @k(%arg0: i32, %arg1: i32, %arg2: memref<320000x128xf32, #tpu.memory_space<hbm>>, %arg3: memref<2x32x125x80xi32, #tpu.memory_space<hbm>>, %arg4: memref<2x10000x128xf32, #tpu.memory_space<hbm>>, %arg5: memref<3x80x128xf32, #tpu.memory_space<vmem>>, %arg6: memref<125x80xi32, #tpu.memory_space<vmem>>, %arg7: memref<10000x128xf32, #tpu.memory_space<vmem_shared>>, %arg8: memref<!tpu.dma_semaphore, #tpu.memory_space<semaphore_mem>>, %arg9: memref<!tpu.dma_semaphore, #tpu.memory_space<semaphore_mem>>, %arg10: memref<!tpu.dma_semaphore, #tpu.memory_space<semaphore_mem>>, %arg11: memref<!tpu.dma_semaphore, #tpu.memory_space<semaphore_mem>>, %arg12: memref<!tpu.dma_semaphore, #tpu.memory_space<semaphore_mem>>, %arg13: memref<!tpu.dma_semaphore, #tpu.memory_space<semaphore_mem>>) attributes {dimension_semantics = [#tpu.dimension_semantics<core_parallel>, #tpu.dimension_semantics<subcore_parallel>], iteration_bounds = array<i64: 2, 16>, scalar_prefetch = 0 : i64, scratch_operands = 9 : i64, tpu.core_type = #tpu.core_type<sc_vector_subcore>, window_params = [{transform_indices = #map}, {transform_indices = #map1}, {transform_indices = #map2}]} {
    %mul3A = arith.constant 2 : i32
    %mul3A_0 = arith.muli %arg1, %mul3A : i32
    %add3A = arith.addi %mul3A_0, %arg0 : i32
    %mul3A_1 = arith.constant 10000 : i32
    %mul3A_2 = arith.muli %add3A, %mul3A_1 : i32
    %add3A_3 = arith.constant 0 : i32
    %add3A_4 = arith.addi %mul3A_2, %add3A_3 : i32
    %dma_start3A = arith.constant 0 : i32
    %dma_start3A_5 = arith.constant 0 : i32
    %dma_start3A_6 = arith.constant 0 : i32
    %dma_start3A_7 = tpu.memref_slice %arg5[%dma_start3A, %dma_start3A_5, %dma_start3A_6] : memref<3x80x128xf32, #tpu.memory_space<vmem>> -> memref<1x80x128xf32, #tpu.memory_space<vmem>>
    %dma_start3A_8 = tpu.memref_squeeze %dma_start3A_7 : memref<1x80x128xf32, #tpu.memory_space<vmem>> -> memref<80x128xf32, #tpu.memory_space<vmem>>
    %dma_start3A_9 = arith.constant 0 : i32
    %dma_start3A_10 = tpu.memref_slice %arg2[%add3A_4, %dma_start3A_9] : memref<320000x128xf32, #tpu.memory_space<hbm>> -> memref<80x128xf32, #tpu.memory_space<hbm>>
    %dma_start3A_11 = arith.constant 0 : i32
    %dma_start3A_12 = arith.constant 0 : i32
    %dma_start3A_13 = tpu.memref_slice %arg5[%dma_start3A, %dma_start3A_11, %dma_start3A_12] : memref<3x80x128xf32, #tpu.memory_space<vmem>> -> memref<1x80x128xf32, #tpu.memory_space<vmem>>
    %dma_start3A_14 = tpu.memref_squeeze %dma_start3A_13 : memref<1x80x128xf32, #tpu.memory_space<vmem>> -> memref<80x128xf32, #tpu.memory_space<vmem>>
    %dma_start3A_15 = arith.constant 0 : i32
    %dma_start3A_16 = tpu.memref_slice %arg2[%add3A_4, %dma_start3A_15] : memref<320000x128xf32, #tpu.memory_space<hbm>> -> memref<80x128xf32, #tpu.memory_space<hbm>>
    tpu.enqueue_dma source(%dma_start3A_16 : memref<80x128xf32, #tpu.memory_space<hbm>>) target(%dma_start3A_14 : memref<80x128xf32, #tpu.memory_space<vmem>>) target_semaphore(%arg8 : memref<!tpu.dma_semaphore, #tpu.memory_space<semaphore_mem>>)
    %add3A_17 = arith.constant 80 : i32
    %add3A_18 = arith.addi %mul3A_2, %add3A_17 : i32
    %dma_start3A_19 = arith.constant 1 : i32
    %dma_start3A_20 = arith.constant 0 : i32
    %dma_start3A_21 = arith.constant 0 : i32
    %dma_start3A_22 = tpu.memref_slice %arg5[%dma_start3A_19, %dma_start3A_20, %dma_start3A_21] : memref<3x80x128xf32, #tpu.memory_space<vmem>> -> memref<1x80x128xf32, #tpu.memory_space<vmem>>
    %dma_start3A_23 = tpu.memref_squeeze %dma_start3A_22 : memref<1x80x128xf32, #tpu.memory_space<vmem>> -> memref<80x128xf32, #tpu.memory_space<vmem>>
    %dma_start3A_24 = arith.constant 0 : i32
    %dma_start3A_25 = tpu.memref_slice %arg2[%add3A_18, %dma_start3A_24] : memref<320000x128xf32, #tpu.memory_space<hbm>> -> memref<80x128xf32, #tpu.memory_space<hbm>>
    %dma_start3A_26 = arith.constant 0 : i32
    %dma_start3A_27 = arith.constant 0 : i32
    %dma_start3A_28 = tpu.memref_slice %arg5[%dma_start3A_19, %dma_start3A_26, %dma_start3A_27] : memref<3x80x128xf32, #tpu.memory_space<vmem>> -> memref<1x80x128xf32, #tpu.memory_space<vmem>>
    %dma_start3A_29 = tpu.memref_squeeze %dma_start3A_28 : memref<1x80x128xf32, #tpu.memory_space<vmem>> -> memref<80x128xf32, #tpu.memory_space<vmem>>
    %dma_start3A_30 = arith.constant 0 : i32
    %dma_start3A_31 = tpu.memref_slice %arg2[%add3A_18, %dma_start3A_30] : memref<320000x128xf32, #tpu.memory_space<hbm>> -> memref<80x128xf32, #tpu.memory_space<hbm>>
    tpu.enqueue_dma source(%dma_start3A_31 : memref<80x128xf32, #tpu.memory_space<hbm>>) target(%dma_start3A_29 : memref<80x128xf32, #tpu.memory_space<vmem>>) target_semaphore(%arg9 : memref<!tpu.dma_semaphore, #tpu.memory_space<semaphore_mem>>)
    %run_scoped3A = arith.constant 1 : i32
    "tpu.region"() ({
      %run_scoped3A_206 = tpu.sem_alloc : memref<!tpu.dma_semaphore, #tpu.memory_space<semaphore_mem>>
      %dma_start3A_207 = arith.constant 0 : i32
      %dma_start3A_208 = arith.constant 0 : i32
      %dma_start3A_209 = tpu.memref_slice %arg3[%run_scoped3A, %add3A, %dma_start3A_207, %dma_start3A_208] : memref<2x32x125x80xi32, #tpu.memory_space<hbm>> -> memref<1x1x125x80xi32, #tpu.memory_space<hbm>>
      %dma_start3A_210 = tpu.memref_squeeze %dma_start3A_209 : memref<1x1x125x80xi32, #tpu.memory_space<hbm>> -> memref<125x80xi32, #tpu.memory_space<hbm>>
      %dma_start3A_211 = arith.constant 0 : i32
      %dma_start3A_212 = arith.constant 0 : i32
      %dma_start3A_213 = tpu.memref_slice %arg3[%run_scoped3A, %add3A, %dma_start3A_211, %dma_start3A_212] : memref<2x32x125x80xi32, #tpu.memory_space<hbm>> -> memref<1x1x125x80xi32, #tpu.memory_space<hbm>>
      %dma_start3A_214 = tpu.memref_squeeze %dma_start3A_213 : memref<1x1x125x80xi32, #tpu.memory_space<hbm>> -> memref<125x80xi32, #tpu.memory_space<hbm>>
      tpu.enqueue_dma source(%dma_start3A_214 : memref<125x80xi32, #tpu.memory_space<hbm>>) target(%arg6 : memref<125x80xi32, #tpu.memory_space<vmem>>) target_semaphore(%run_scoped3A_206 : memref<!tpu.dma_semaphore, #tpu.memory_space<semaphore_mem>>)
      %dma_wait3A_215 = arith.constant 0 : i32
      %dma_wait3A_216 = arith.constant 0 : i32
      %dma_wait3A_217 = tpu.memref_slice %arg3[%run_scoped3A, %add3A, %dma_wait3A_215, %dma_wait3A_216] : memref<2x32x125x80xi32, #tpu.memory_space<hbm>> -> memref<1x1x125x80xi32, #tpu.memory_space<hbm>>
      %dma_wait3A_218 = tpu.memref_squeeze %dma_wait3A_217 : memref<1x1x125x80xi32, #tpu.memory_space<hbm>> -> memref<125x80xi32, #tpu.memory_space<hbm>>
      %dma_wait3A_219 = arith.constant 0 : i32
      %dma_wait3A_220 = arith.constant 0 : i32
      %dma_wait3A_221 = tpu.memref_slice %arg3[%run_scoped3A, %add3A, %dma_wait3A_219, %dma_wait3A_220] : memref<2x32x125x80xi32, #tpu.memory_space<hbm>> -> memref<1x1x125x80xi32, #tpu.memory_space<hbm>>
      %dma_wait3A_222 = tpu.memref_squeeze %dma_wait3A_221 : memref<1x1x125x80xi32, #tpu.memory_space<hbm>> -> memref<125x80xi32, #tpu.memory_space<hbm>>
      tpu.wait_dma2 semaphore(%run_scoped3A_206 : memref<!tpu.dma_semaphore, #tpu.memory_space<semaphore_mem>>) src(%dma_wait3A_222 : memref<125x80xi32, #tpu.memory_space<hbm>>) dst(%arg6 : memref<125x80xi32, #tpu.memory_space<vmem>>)
      tpu.yield
    }) : () -> ()
    %broadcast_in_dim3A = arith.constant 0.000000e+00 : f32
    %broadcast_in_dim3A_32 = vector.broadcast %broadcast_in_dim3A : f32 to vector<16xf32>
    %scan3A = arith.constant 0 : i32
    %scan3A_33 = arith.constant 0 : i32
    %scan3A_34 = arith.constant 48 : i32
    %scan3A_35 = arith.addi %scan3A_33, %scan3A_34 : i32
    %scan3A_36 = arith.constant 1 : i32
    scf.for %scan3A_206 = %scan3A_33 to %scan3A_35 step %scan3A_36  : i32 {
      %swap3A = arith.constant 2 : i32
      %swap3A_207 = arith.index_cast %swap3A : i32 to index
      %swap3A_208 = arith.index_cast %scan3A_206 : i32 to index
      %swap3A_209 = arith.constant 0 : index
      %swap3A_210 = tpu.vector_load %arg5[%swap3A_207, %swap3A_208, %swap3A_209] {strides = array<i32>} : memref<3x80x128xf32, #tpu.memory_space<vmem>>, vector<1x1x16xf32>,
      %swap3A_211 = vector.shape_cast %swap3A_210 : vector<1x1x16xf32> to vector<16xf32>
      %swap3A_212 = vector.shape_cast %broadcast_in_dim3A_32 : vector<16xf32> to vector<1x1x16xf32>
      tpu.vector_store %arg5[%swap3A_207, %swap3A_208, %swap3A_209], %swap3A_212 {strides = array<i32>} : memref<3x80x128xf32, #tpu.memory_space<vmem>>, vector<1x1x16xf32>,
      %swap3A_213 = arith.constant 2 : i32
      %swap3A_214 = arith.index_cast %swap3A_213 : i32 to index
      %swap3A_215 = arith.index_cast %scan3A_206 : i32 to index
      %swap3A_216 = arith.constant 16 : index
      %swap3A_217 = tpu.vector_load %arg5[%swap3A_214, %swap3A_215, %swap3A_216] {strides = array<i32>} : memref<3x80x128xf32, #tpu.memory_space<vmem>>, vector<1x1x16xf32>,
      %swap3A_218 = vector.shape_cast %swap3A_217 : vector<1x1x16xf32> to vector<16xf32>
      %swap3A_219 = vector.shape_cast %broadcast_in_dim3A_32 : vector<16xf32> to vector<1x1x16xf32>
      tpu.vector_store %arg5[%swap3A_214, %swap3A_215, %swap3A_216], %swap3A_219 {strides = array<i32>} : memref<3x80x128xf32, #tpu.memory_space<vmem>>, vector<1x1x16xf32>,
      %swap3A_220 = arith.constant 2 : i32
      %swap3A_221 = arith.index_cast %swap3A_220 : i32 to index
      %swap3A_222 = arith.index_cast %scan3A_206 : i32 to index
      %swap3A_223 = arith.constant 32 : index
      %swap3A_224 = tpu.vector_load %arg5[%swap3A_221, %swap3A_222, %swap3A_223] {strides = array<i32>} : memref<3x80x128xf32, #tpu.memory_space<vmem>>, vector<1x1x16xf32>,
      %swap3A_225 = vector.shape_cast %swap3A_224 : vector<1x1x16xf32> to vector<16xf32>
      %swap3A_226 = vector.shape_cast %broadcast_in_dim3A_32 : vector<16xf32> to vector<1x1x16xf32>
      tpu.vector_store %arg5[%swap3A_221, %swap3A_222, %swap3A_223], %swap3A_226 {strides = array<i32>} : memref<3x80x128xf32, #tpu.memory_space<vmem>>, vector<1x1x16xf32>,
      %swap3A_227 = arith.constant 2 : i32
      %swap3A_228 = arith.index_cast %swap3A_227 : i32 to index
      %swap3A_229 = arith.index_cast %scan3A_206 : i32 to index
      %swap3A_230 = arith.constant 48 : index
      %swap3A_231 = tpu.vector_load %arg5[%swap3A_228, %swap3A_229, %swap3A_230] {strides = array<i32>} : memref<3x80x128xf32, #tpu.memory_space<vmem>>, vector<1x1x16xf32>,
      %swap3A_232 = vector.shape_cast %swap3A_231 : vector<1x1x16xf32> to vector<16xf32>
      %swap3A_233 = vector.shape_cast %broadcast_in_dim3A_32 : vector<16xf32> to vector<1x1x16xf32>
      tpu.vector_store %arg5[%swap3A_228, %swap3A_229, %swap3A_230], %swap3A_233 {strides = array<i32>} : memref<3x80x128xf32, #tpu.memory_space<vmem>>, vector<1x1x16xf32>,
      %swap3A_234 = arith.constant 2 : i32
      %swap3A_235 = arith.index_cast %swap3A_234 : i32 to index
      %swap3A_236 = arith.index_cast %scan3A_206 : i32 to index
      %swap3A_237 = arith.constant 64 : index
      %swap3A_238 = tpu.vector_load %arg5[%swap3A_235, %swap3A_236, %swap3A_237] {strides = array<i32>} : memref<3x80x128xf32, #tpu.memory_space<vmem>>, vector<1x1x16xf32>,
      %swap3A_239 = vector.shape_cast %swap3A_238 : vector<1x1x16xf32> to vector<16xf32>
      %swap3A_240 = vector.shape_cast %broadcast_in_dim3A_32 : vector<16xf32> to vector<1x1x16xf32>
      tpu.vector_store %arg5[%swap3A_235, %swap3A_236, %swap3A_237], %swap3A_240 {strides = array<i32>} : memref<3x80x128xf32, #tpu.memory_space<vmem>>, vector<1x1x16xf32>,
      %swap3A_241 = arith.constant 2 : i32
      %swap3A_242 = arith.index_cast %swap3A_241 : i32 to index
      %swap3A_243 = arith.index_cast %scan3A_206 : i32 to index
      %swap3A_244 = arith.constant 80 : index
      %swap3A_245 = tpu.vector_load %arg5[%swap3A_242, %swap3A_243, %swap3A_244] {strides = array<i32>} : memref<3x80x128xf32, #tpu.memory_space<vmem>>, vector<1x1x16xf32>,
      %swap3A_246 = vector.shape_cast %swap3A_245 : vector<1x1x16xf32> to vector<16xf32>
      %swap3A_247 = vector.shape_cast %broadcast_in_dim3A_32 : vector<16xf32> to vector<1x1x16xf32>
      tpu.vector_store %arg5[%swap3A_242, %swap3A_243, %swap3A_244], %swap3A_247 {strides = array<i32>} : memref<3x80x128xf32, #tpu.memory_space<vmem>>, vector<1x1x16xf32>,
      %swap3A_248 = arith.constant 2 : i32
      %swap3A_249 = arith.index_cast %swap3A_248 : i32 to index
      %swap3A_250 = arith.index_cast %scan3A_206 : i32 to index
      %swap3A_251 = arith.constant 96 : index
      %swap3A_252 = tpu.vector_load %arg5[%swap3A_249, %swap3A_250, %swap3A_251] {strides = array<i32>} : memref<3x80x128xf32, #tpu.memory_space<vmem>>, vector<1x1x16xf32>,
      %swap3A_253 = vector.shape_cast %swap3A_252 : vector<1x1x16xf32> to vector<16xf32>
      %swap3A_254 = vector.shape_cast %broadcast_in_dim3A_32 : vector<16xf32> to vector<1x1x16xf32>
      tpu.vector_store %arg5[%swap3A_249, %swap3A_250, %swap3A_251], %swap3A_254 {strides = array<i32>} : memref<3x80x128xf32, #tpu.memory_space<vmem>>, vector<1x1x16xf32>,
      %swap3A_255 = arith.constant 2 : i32
      %swap3A_256 = arith.index_cast %swap3A_255 : i32 to index
      %swap3A_257 = arith.index_cast %scan3A_206 : i32 to index
      %swap3A_258 = arith.constant 112 : index
      %swap3A_259 = tpu.vector_load %arg5[%swap3A_256, %swap3A_257, %swap3A_258] {strides = array<i32>} : memref<3x80x128xf32, #tpu.memory_space<vmem>>, vector<1x1x16xf32>,
      %swap3A_260 = vector.shape_cast %swap3A_259 : vector<1x1x16xf32> to vector<16xf32>
      %swap3A_261 = vector.shape_cast %broadcast_in_dim3A_32 : vector<16xf32> to vector<1x1x16xf32>
      tpu.vector_store %arg5[%swap3A_256, %swap3A_257, %swap3A_258], %swap3A_261 {strides = array<i32>} : memref<3x80x128xf32, #tpu.memory_space<vmem>>, vector<1x1x16xf32>,
    }
    %scan3A_37 = arith.constant 48 : i32
    %mul3A_38 = arith.constant 624 : i32
    %mul3A_39 = arith.muli %arg1, %mul3A_38 : i32
    %add3A_40 = arith.constant 0 : i32
    %add3A_41 = arith.addi %mul3A_39, %add3A_40 : i32
    %run_scoped3A_42 = arith.constant 2 : i32
    "tpu.region"() ({
      %run_scoped3A_206 = tpu.sem_alloc : memref<!tpu.dma_semaphore, #tpu.memory_space<semaphore_mem>>
      %dma_start3A_207 = arith.constant 0 : i32
      %dma_start3A_208 = arith.constant 0 : i32
      %dma_start3A_209 = tpu.memref_slice %arg5[%run_scoped3A_42, %dma_start3A_207, %dma_start3A_208] : memref<3x80x128xf32, #tpu.memory_space<vmem>> -> memref<1x48x128xf32, #tpu.memory_space<vmem>>
      %dma_start3A_210 = tpu.memref_squeeze %dma_start3A_209 : memref<1x48x128xf32, #tpu.memory_space<vmem>> -> memref<48x128xf32, #tpu.memory_space<vmem>>
      %dma_start3A_211 = arith.constant 0 : i32
      %dma_start3A_212 = tpu.memref_slice %arg7[%add3A_41, %dma_start3A_211] : memref<10000x128xf32, #tpu.memory_space<vmem_shared>> -> memref<48x128xf32, #tpu.memory_space<vmem_shared>>
      %dma_start3A_213 = arith.constant 0 : i32
      %dma_start3A_214 = tpu.memref_slice %arg7[%add3A_41, %dma_start3A_213] : memref<10000x128xf32, #tpu.memory_space<vmem_shared>> -> memref<48x128xf32, #tpu.memory_space<vmem_shared>>
      %dma_start3A_215 = arith.constant 0 : i32
      %dma_start3A_216 = arith.constant 0 : i32
      %dma_start3A_217 = tpu.memref_slice %arg5[%run_scoped3A_42, %dma_start3A_215, %dma_start3A_216] : memref<3x80x128xf32, #tpu.memory_space<vmem>> -> memref<1x48x128xf32, #tpu.memory_space<vmem>>
      %dma_start3A_218 = tpu.memref_squeeze %dma_start3A_217 : memref<1x48x128xf32, #tpu.memory_space<vmem>> -> memref<48x128xf32, #tpu.memory_space<vmem>>
      tpu.enqueue_dma source(%dma_start3A_218 : memref<48x128xf32, #tpu.memory_space<vmem>>) target(%dma_start3A_214 : memref<48x128xf32, #tpu.memory_space<vmem_shared>>) target_semaphore(%run_scoped3A_206 : memref<!tpu.dma_semaphore, #tpu.memory_space<semaphore_mem>>)
      %dma_wait3A_219 = arith.constant 0 : i32
      %dma_wait3A_220 = arith.constant 0 : i32
      %dma_wait3A_221 = tpu.memref_slice %arg5[%run_scoped3A_42, %dma_wait3A_219, %dma_wait3A_220] : memref<3x80x128xf32, #tpu.memory_space<vmem>> -> memref<1x48x128xf32, #tpu.memory_space<vmem>>
      %dma_wait3A_222 = tpu.memref_squeeze %dma_wait3A_221 : memref<1x48x128xf32, #tpu.memory_space<vmem>> -> memref<48x128xf32, #tpu.memory_space<vmem>>
      %dma_wait3A_223 = arith.constant 0 : i32
      %dma_wait3A_224 = tpu.memref_slice %arg7[%add3A_41, %dma_wait3A_223] : memref<10000x128xf32, #tpu.memory_space<vmem_shared>> -> memref<48x128xf32, #tpu.memory_space<vmem_shared>>
      %dma_wait3A_225 = arith.constant 0 : i32
      %dma_wait3A_226 = tpu.memref_slice %arg7[%add3A_41, %dma_wait3A_225] : memref<10000x128xf32, #tpu.memory_space<vmem_shared>> -> memref<48x128xf32, #tpu.memory_space<vmem_shared>>
      %dma_wait3A_227 = arith.constant 0 : i32
      %dma_wait3A_228 = arith.constant 0 : i32
      %dma_wait3A_229 = tpu.memref_slice %arg5[%run_scoped3A_42, %dma_wait3A_227, %dma_wait3A_228] : memref<3x80x128xf32, #tpu.memory_space<vmem>> -> memref<1x48x128xf32, #tpu.memory_space<vmem>>
      %dma_wait3A_230 = tpu.memref_squeeze %dma_wait3A_229 : memref<1x48x128xf32, #tpu.memory_space<vmem>> -> memref<48x128xf32, #tpu.memory_space<vmem>>
      tpu.wait_dma2 semaphore(%run_scoped3A_206 : memref<!tpu.dma_semaphore, #tpu.memory_space<semaphore_mem>>) src(%dma_wait3A_230 : memref<48x128xf32, #tpu.memory_space<vmem>>) dst(%dma_wait3A_226 : memref<48x128xf32, #tpu.memory_space<vmem_shared>>)
      tpu.yield
    }) : () -> ()
    %mul3A_43 = arith.constant 624 : i32
    %mul3A_44 = arith.muli %arg1, %mul3A_43 : i32
    %add3A_45 = arith.constant 48 : i32
    %add3A_46 = arith.addi %mul3A_44, %add3A_45 : i32
    %run_scoped3A_47 = arith.constant 2 : i32
    "tpu.region"() ({
      %run_scoped3A_206 = tpu.sem_alloc : memref<!tpu.dma_semaphore, #tpu.memory_space<semaphore_mem>>
      %dma_start3A_207 = arith.constant 0 : i32
      %dma_start3A_208 = arith.constant 0 : i32
      %dma_start3A_209 = tpu.memref_slice %arg5[%run_scoped3A_47, %dma_start3A_207, %dma_start3A_208] : memref<3x80x128xf32, #tpu.memory_space<vmem>> -> memref<1x48x128xf32, #tpu.memory_space<vmem>>
      %dma_start3A_210 = tpu.memref_squeeze %dma_start3A_209 : memref<1x48x128xf32, #tpu.memory_space<vmem>> -> memref<48x128xf32, #tpu.memory_space<vmem>>
      %dma_start3A_211 = arith.constant 0 : i32
      %dma_start3A_212 = tpu.memref_slice %arg7[%add3A_46, %dma_start3A_211] : memref<10000x128xf32, #tpu.memory_space<vmem_shared>> -> memref<48x128xf32, #tpu.memory_space<vmem_shared>>
      %dma_start3A_213 = arith.constant 0 : i32
      %dma_start3A_214 = tpu.memref_slice %arg7[%add3A_46, %dma_start3A_213] : memref<10000x128xf32, #tpu.memory_space<vmem_shared>> -> memref<48x128xf32, #tpu.memory_space<vmem_shared>>
      %dma_start3A_215 = arith.constant 0 : i32
      %dma_start3A_216 = arith.constant 0 : i32
      %dma_start3A_217 = tpu.memref_slice %arg5[%run_scoped3A_47, %dma_start3A_215, %dma_start3A_216] : memref<3x80x128xf32, #tpu.memory_space<vmem>> -> memref<1x48x128xf32, #tpu.memory_space<vmem>>
      %dma_start3A_218 = tpu.memref_squeeze %dma_start3A_217 : memref<1x48x128xf32, #tpu.memory_space<vmem>> -> memref<48x128xf32, #tpu.memory_space<vmem>>
      tpu.enqueue_dma source(%dma_start3A_218 : memref<48x128xf32, #tpu.memory_space<vmem>>) target(%dma_start3A_214 : memref<48x128xf32, #tpu.memory_space<vmem_shared>>) target_semaphore(%run_scoped3A_206 : memref<!tpu.dma_semaphore, #tpu.memory_space<semaphore_mem>>)
      %dma_wait3A_219 = arith.constant 0 : i32
      %dma_wait3A_220 = arith.constant 0 : i32
      %dma_wait3A_221 = tpu.memref_slice %arg5[%run_scoped3A_47, %dma_wait3A_219, %dma_wait3A_220] : memref<3x80x128xf32, #tpu.memory_space<vmem>> -> memref<1x48x128xf32, #tpu.memory_space<vmem>>
      %dma_wait3A_222 = tpu.memref_squeeze %dma_wait3A_221 : memref<1x48x128xf32, #tpu.memory_space<vmem>> -> memref<48x128xf32, #tpu.memory_space<vmem>>
      %dma_wait3A_223 = arith.constant 0 : i32
      %dma_wait3A_224 = tpu.memref_slice %arg7[%add3A_46, %dma_wait3A_223] : memref<10000x128xf32, #tpu.memory_space<vmem_shared>> -> memref<48x128xf32, #tpu.memory_space<vmem_shared>>
      %dma_wait3A_225 = arith.constant 0 : i32
      %dma_wait3A_226 = tpu.memref_slice %arg7[%add3A_46, %dma_wait3A_225] : memref<10000x128xf32, #tpu.memory_space<vmem_shared>> -> memref<48x128xf32, #tpu.memory_space<vmem_shared>>
      %dma_wait3A_227 = arith.constant 0 : i32
      %dma_wait3A_228 = arith.constant 0 : i32
      %dma_wait3A_229 = tpu.memref_slice %arg5[%run_scoped3A_47, %dma_wait3A_227, %dma_wait3A_228] : memref<3x80x128xf32, #tpu.memory_space<vmem>> -> memref<1x48x128xf32, #tpu.memory_space<vmem>>
      %dma_wait3A_230 = tpu.memref_squeeze %dma_wait3A_229 : memref<1x48x128xf32, #tpu.memory_space<vmem>> -> memref<48x128xf32, #tpu.memory_space<vmem>>
      tpu.wait_dma2 semaphore(%run_scoped3A_206 : memref<!tpu.dma_semaphore, #tpu.memory_space<semaphore_mem>>) src(%dma_wait3A_230 : memref<48x128xf32, #tpu.memory_space<vmem>>) dst(%dma_wait3A_226 : memref<48x128xf32, #tpu.memory_space<vmem_shared>>)
      tpu.yield
    }) : () -> ()
    %mul3A_48 = arith.constant 624 : i32
    %mul3A_49 = arith.muli %arg1, %mul3A_48 : i32
    %add3A_50 = arith.constant 96 : i32
    %add3A_51 = arith.addi %mul3A_49, %add3A_50 : i32
    %run_scoped3A_52 = arith.constant 2 : i32
    "tpu.region"() ({
      %run_scoped3A_206 = tpu.sem_alloc : memref<!tpu.dma_semaphore, #tpu.memory_space<semaphore_mem>>
      %dma_start3A_207 = arith.constant 0 : i32
      %dma_start3A_208 = arith.constant 0 : i32
      %dma_start3A_209 = tpu.memref_slice %arg5[%run_scoped3A_52, %dma_start3A_207, %dma_start3A_208] : memref<3x80x128xf32, #tpu.memory_space<vmem>> -> memref<1x48x128xf32, #tpu.memory_space<vmem>>
      %dma_start3A_210 = tpu.memref_squeeze %dma_start3A_209 : memref<1x48x128xf32, #tpu.memory_space<vmem>> -> memref<48x128xf32, #tpu.memory_space<vmem>>
      %dma_start3A_211 = arith.constant 0 : i32
      %dma_start3A_212 = tpu.memref_slice %arg7[%add3A_51, %dma_start3A_211] : memref<10000x128xf32, #tpu.memory_space<vmem_shared>> -> memref<48x128xf32, #tpu.memory_space<vmem_shared>>
      %dma_start3A_213 = arith.constant 0 : i32
      %dma_start3A_214 = tpu.memref_slice %arg7[%add3A_51, %dma_start3A_213] : memref<10000x128xf32, #tpu.memory_space<vmem_shared>> -> memref<48x128xf32, #tpu.memory_space<vmem_shared>>
      %dma_start3A_215 = arith.constant 0 : i32
      %dma_start3A_216 = arith.constant 0 : i32
      %dma_start3A_217 = tpu.memref_slice %arg5[%run_scoped3A_52, %dma_start3A_215, %dma_start3A_216] : memref<3x80x128xf32, #tpu.memory_space<vmem>> -> memref<1x48x128xf32, #tpu.memory_space<vmem>>
      %dma_start3A_218 = tpu.memref_squeeze %dma_start3A_217 : memref<1x48x128xf32, #tpu.memory_space<vmem>> -> memref<48x128xf32, #tpu.memory_space<vmem>>
      tpu.enqueue_dma source(%dma_start3A_218 : memref<48x128xf32, #tpu.memory_space<vmem>>) target(%dma_start3A_214 : memref<48x128xf32, #tpu.memory_space<vmem_shared>>) target_semaphore(%run_scoped3A_206 : memref<!tpu.dma_semaphore, #tpu.memory_space<semaphore_mem>>)
      %dma_wait3A_219 = arith.constant 0 : i32
      %dma_wait3A_220 = arith.constant 0 : i32
      %dma_wait3A_221 = tpu.memref_slice %arg5[%run_scoped3A_52, %dma_wait3A_219, %dma_wait3A_220] : memref<3x80x128xf32, #tpu.memory_space<vmem>> -> memref<1x48x128xf32, #tpu.memory_space<vmem>>
      %dma_wait3A_222 = tpu.memref_squeeze %dma_wait3A_221 : memref<1x48x128xf32, #tpu.memory_space<vmem>> -> memref<48x128xf32, #tpu.memory_space<vmem>>
      %dma_wait3A_223 = arith.constant 0 : i32
      %dma_wait3A_224 = tpu.memref_slice %arg7[%add3A_51, %dma_wait3A_223] : memref<10000x128xf32, #tpu.memory_space<vmem_shared>> -> memref<48x128xf32, #tpu.memory_space<vmem_shared>>
      %dma_wait3A_225 = arith.constant 0 : i32
      %dma_wait3A_226 = tpu.memref_slice %arg7[%add3A_51, %dma_wait3A_225] : memref<10000x128xf32, #tpu.memory_space<vmem_shared>> -> memref<48x128xf32, #tpu.memory_space<vmem_shared>>
      %dma_wait3A_227 = arith.constant 0 : i32
      %dma_wait3A_228 = arith.constant 0 : i32
      %dma_wait3A_229 = tpu.memref_slice %arg5[%run_scoped3A_52, %dma_wait3A_227, %dma_wait3A_228] : memref<3x80x128xf32, #tpu.memory_space<vmem>> -> memref<1x48x128xf32, #tpu.memory_space<vmem>>
      %dma_wait3A_230 = tpu.memref_squeeze %dma_wait3A_229 : memref<1x48x128xf32, #tpu.memory_space<vmem>> -> memref<48x128xf32, #tpu.memory_space<vmem>>
      tpu.wait_dma2 semaphore(%run_scoped3A_206 : memref<!tpu.dma_semaphore, #tpu.memory_space<semaphore_mem>>) src(%dma_wait3A_230 : memref<48x128xf32, #tpu.memory_space<vmem>>) dst(%dma_wait3A_226 : memref<48x128xf32, #tpu.memory_space<vmem_shared>>)
      tpu.yield
    }) : () -> ()
    %mul3A_53 = arith.constant 624 : i32
    %mul3A_54 = arith.muli %arg1, %mul3A_53 : i32
    %add3A_55 = arith.constant 144 : i32
    %add3A_56 = arith.addi %mul3A_54, %add3A_55 : i32
    %run_scoped3A_57 = arith.constant 2 : i32
    "tpu.region"() ({
      %run_scoped3A_206 = tpu.sem_alloc : memref<!tpu.dma_semaphore, #tpu.memory_space<semaphore_mem>>
      %dma_start3A_207 = arith.constant 0 : i32
      %dma_start3A_208 = arith.constant 0 : i32
      %dma_start3A_209 = tpu.memref_slice %arg5[%run_scoped3A_57, %dma_start3A_207, %dma_start3A_208] : memref<3x80x128xf32, #tpu.memory_space<vmem>> -> memref<1x48x128xf32, #tpu.memory_space<vmem>>
      %dma_start3A_210 = tpu.memref_squeeze %dma_start3A_209 : memref<1x48x128xf32, #tpu.memory_space<vmem>> -> memref<48x128xf32, #tpu.memory_space<vmem>>
      %dma_start3A_211 = arith.constant 0 : i32
      %dma_start3A_212 = tpu.memref_slice %arg7[%add3A_56, %dma_start3A_211] : memref<10000x128xf32, #tpu.memory_space<vmem_shared>> -> memref<48x128xf32, #tpu.memory_space<vmem_shared>>
      %dma_start3A_213 = arith.constant 0 : i32
      %dma_start3A_214 = tpu.memref_slice %arg7[%add3A_56, %dma_start3A_213] : memref<10000x128xf32, #tpu.memory_space<vmem_shared>> -> memref<48x128xf32, #tpu.memory_space<vmem_shared>>
      %dma_start3A_215 = arith.constant 0 : i32
      %dma_start3A_216 = arith.constant 0 : i32
      %dma_start3A_217 = tpu.memref_slice %arg5[%run_scoped3A_57, %dma_start3A_215, %dma_start3A_216] : memref<3x80x128xf32, #tpu.memory_space<vmem>> -> memref<1x48x128xf32, #tpu.memory_space<vmem>>
      %dma_start3A_218 = tpu.memref_squeeze %dma_start3A_217 : memref<1x48x128xf32, #tpu.memory_space<vmem>> -> memref<48x128xf32, #tpu.memory_space<vmem>>
      tpu.enqueue_dma source(%dma_start3A_218 : memref<48x128xf32, #tpu.memory_space<vmem>>) target(%dma_start3A_214 : memref<48x128xf32, #tpu.memory_space<vmem_shared>>) target_semaphore(%run_scoped3A_206 : memref<!tpu.dma_semaphore, #tpu.memory_space<semaphore_mem>>)
      %dma_wait3A_219 = arith.constant 0 : i32
      %dma_wait3A_220 = arith.constant 0 : i32
      %dma_wait3A_221 = tpu.memref_slice %arg5[%run_scoped3A_57, %dma_wait3A_219, %dma_wait3A_220] : memref<3x80x128xf32, #tpu.memory_space<vmem>> -> memref<1x48x128xf32, #tpu.memory_space<vmem>>
      %dma_wait3A_222 = tpu.memref_squeeze %dma_wait3A_221 : memref<1x48x128xf32, #tpu.memory_space<vmem>> -> memref<48x128xf32, #tpu.memory_space<vmem>>
      %dma_wait3A_223 = arith.constant 0 : i32
      %dma_wait3A_224 = tpu.memref_slice %arg7[%add3A_56, %dma_wait3A_223] : memref<10000x128xf32, #tpu.memory_space<vmem_shared>> -> memref<48x128xf32, #tpu.memory_space<vmem_shared>>
      %dma_wait3A_225 = arith.constant 0 : i32
      %dma_wait3A_226 = tpu.memref_slice %arg7[%add3A_56, %dma_wait3A_225] : memref<10000x128xf32, #tpu.memory_space<vmem_shared>> -> memref<48x128xf32, #tpu.memory_space<vmem_shared>>
      %dma_wait3A_227 = arith.constant 0 : i32
      %dma_wait3A_228 = arith.constant 0 : i32
      %dma_wait3A_229 = tpu.memref_slice %arg5[%run_scoped3A_57, %dma_wait3A_227, %dma_wait3A_228] : memref<3x80x128xf32, #tpu.memory_space<vmem>> -> memref<1x48x128xf32, #tpu.memory_space<vmem>>
      %dma_wait3A_230 = tpu.memref_squeeze %dma_wait3A_229 : memref<1x48x128xf32, #tpu.memory_space<vmem>> -> memref<48x128xf32, #tpu.memory_space<vmem>>
      tpu.wait_dma2 semaphore(%run_scoped3A_206 : memref<!tpu.dma_semaphore, #tpu.memory_space<semaphore_mem>>) src(%dma_wait3A_230 : memref<48x128xf32, #tpu.memory_space<vmem>>) dst(%dma_wait3A_226 : memref<48x128xf32, #tpu.memory_space<vmem_shared>>)
      tpu.yield
    }) : () -> ()
    %mul3A_58 = arith.constant 624 : i32
    %mul3A_59 = arith.muli %arg1, %mul3A_58 : i32
    %add3A_60 = arith.constant 192 : i32
    %add3A_61 = arith.addi %mul3A_59, %add3A_60 : i32
    %run_scoped3A_62 = arith.constant 2 : i32
    "tpu.region"() ({
      %run_scoped3A_206 = tpu.sem_alloc : memref<!tpu.dma_semaphore, #tpu.memory_space<semaphore_mem>>
      %dma_start3A_207 = arith.constant 0 : i32
      %dma_start3A_208 = arith.constant 0 : i32
      %dma_start3A_209 = tpu.memref_slice %arg5[%run_scoped3A_62, %dma_start3A_207, %dma_start3A_208] : memref<3x80x128xf32, #tpu.memory_space<vmem>> -> memref<1x48x128xf32, #tpu.memory_space<vmem>>
      %dma_start3A_210 = tpu.memref_squeeze %dma_start3A_209 : memref<1x48x128xf32, #tpu.memory_space<vmem>> -> memref<48x128xf32, #tpu.memory_space<vmem>>
      %dma_start3A_211 = arith.constant 0 : i32
      %dma_start3A_212 = tpu.memref_slice %arg7[%add3A_61, %dma_start3A_211] : memref<10000x128xf32, #tpu.memory_space<vmem_shared>> -> memref<48x128xf32, #tpu.memory_space<vmem_shared>>
      %dma_start3A_213 = arith.constant 0 : i32
      %dma_start3A_214 = tpu.memref_slice %arg7[%add3A_61, %dma_start3A_213] : memref<10000x128xf32, #tpu.memory_space<vmem_shared>> -> memref<48x128xf32, #tpu.memory_space<vmem_shared>>
      %dma_start3A_215 = arith.constant 0 : i32
      %dma_start3A_216 = arith.constant 0 : i32
      %dma_start3A_217 = tpu.memref_slice %arg5[%run_scoped3A_62, %dma_start3A_215, %dma_start3A_216] : memref<3x80x128xf32, #tpu.memory_space<vmem>> -> memref<1x48x128xf32, #tpu.memory_space<vmem>>
      %dma_start3A_218 = tpu.memref_squeeze %dma_start3A_217 : memref<1x48x128xf32, #tpu.memory_space<vmem>> -> memref<48x128xf32, #tpu.memory_space<vmem>>
      tpu.enqueue_dma source(%dma_start3A_218 : memref<48x128xf32, #tpu.memory_space<vmem>>) target(%dma_start3A_214 : memref<48x128xf32, #tpu.memory_space<vmem_shared>>) target_semaphore(%run_scoped3A_206 : memref<!tpu.dma_semaphore, #tpu.memory_space<semaphore_mem>>)
      %dma_wait3A_219 = arith.constant 0 : i32
      %dma_wait3A_220 = arith.constant 0 : i32
      %dma_wait3A_221 = tpu.memref_slice %arg5[%run_scoped3A_62, %dma_wait3A_219, %dma_wait3A_220] : memref<3x80x128xf32, #tpu.memory_space<vmem>> -> memref<1x48x128xf32, #tpu.memory_space<vmem>>
      %dma_wait3A_222 = tpu.memref_squeeze %dma_wait3A_221 : memref<1x48x128xf32, #tpu.memory_space<vmem>> -> memref<48x128xf32, #tpu.memory_space<vmem>>
      %dma_wait3A_223 = arith.constant 0 : i32
      %dma_wait3A_224 = tpu.memref_slice %arg7[%add3A_61, %dma_wait3A_223] : memref<10000x128xf32, #tpu.memory_space<vmem_shared>> -> memref<48x128xf32, #tpu.memory_space<vmem_shared>>
      %dma_wait3A_225 = arith.constant 0 : i32
      %dma_wait3A_226 = tpu.memref_slice %arg7[%add3A_61, %dma_wait3A_225] : memref<10000x128xf32, #tpu.memory_space<vmem_shared>> -> memref<48x128xf32, #tpu.memory_space<vmem_shared>>
      %dma_wait3A_227 = arith.constant 0 : i32
      %dma_wait3A_228 = arith.constant 0 : i32
      %dma_wait3A_229 = tpu.memref_slice %arg5[%run_scoped3A_62, %dma_wait3A_227, %dma_wait3A_228] : memref<3x80x128xf32, #tpu.memory_space<vmem>> -> memref<1x48x128xf32, #tpu.memory_space<vmem>>
      %dma_wait3A_230 = tpu.memref_squeeze %dma_wait3A_229 : memref<1x48x128xf32, #tpu.memory_space<vmem>> -> memref<48x128xf32, #tpu.memory_space<vmem>>
      tpu.wait_dma2 semaphore(%run_scoped3A_206 : memref<!tpu.dma_semaphore, #tpu.memory_space<semaphore_mem>>) src(%dma_wait3A_230 : memref<48x128xf32, #tpu.memory_space<vmem>>) dst(%dma_wait3A_226 : memref<48x128xf32, #tpu.memory_space<vmem_shared>>)
      tpu.yield
    }) : () -> ()
    %mul3A_63 = arith.constant 624 : i32
    %mul3A_64 = arith.muli %arg1, %mul3A_63 : i32
    %add3A_65 = arith.constant 240 : i32
    %add3A_66 = arith.addi %mul3A_64, %add3A_65 : i32
    %run_scoped3A_67 = arith.constant 2 : i32
    "tpu.region"() ({
      %run_scoped3A_206 = tpu.sem_alloc : memref<!tpu.dma_semaphore, #tpu.memory_space<semaphore_mem>>
      %dma_start3A_207 = arith.constant 0 : i32
      %dma_start3A_208 = arith.constant 0 : i32
      %dma_start3A_209 = tpu.memref_slice %arg5[%run_scoped3A_67, %dma_start3A_207, %dma_start3A_208] : memref<3x80x128xf32, #tpu.memory_space<vmem>> -> memref<1x48x128xf32, #tpu.memory_space<vmem>>
      %dma_start3A_210 = tpu.memref_squeeze %dma_start3A_209 : memref<1x48x128xf32, #tpu.memory_space<vmem>> -> memref<48x128xf32, #tpu.memory_space<vmem>>
      %dma_start3A_211 = arith.constant 0 : i32
      %dma_start3A_212 = tpu.memref_slice %arg7[%add3A_66, %dma_start3A_211] : memref<10000x128xf32, #tpu.memory_space<vmem_shared>> -> memref<48x128xf32, #tpu.memory_space<vmem_shared>>
      %dma_start3A_213 = arith.constant 0 : i32
      %dma_start3A_214 = tpu.memref_slice %arg7[%add3A_66, %dma_start3A_213] : memref<10000x128xf32, #tpu.memory_space<vmem_shared>> -> memref<48x128xf32, #tpu.memory_space<vmem_shared>>
      %dma_start3A_215 = arith.constant 0 : i32
      %dma_start3A_216 = arith.constant 0 : i32
      %dma_start3A_217 = tpu.memref_slice %arg5[%run_scoped3A_67, %dma_start3A_215, %dma_start3A_216] : memref<3x80x128xf32, #tpu.memory_space<vmem>> -> memref<1x48x128xf32, #tpu.memory_space<vmem>>
      %dma_start3A_218 = tpu.memref_squeeze %dma_start3A_217 : memref<1x48x128xf32, #tpu.memory_space<vmem>> -> memref<48x128xf32, #tpu.memory_space<vmem>>
      tpu.enqueue_dma source(%dma_start3A_218 : memref<48x128xf32, #tpu.memory_space<vmem>>) target(%dma_start3A_214 : memref<48x128xf32, #tpu.memory_space<vmem_shared>>) target_semaphore(%run_scoped3A_206 : memref<!tpu.dma_semaphore, #tpu.memory_space<semaphore_mem>>)
      %dma_wait3A_219 = arith.constant 0 : i32
      %dma_wait3A_220 = arith.constant 0 : i32
      %dma_wait3A_221 = tpu.memref_slice %arg5[%run_scoped3A_67, %dma_wait3A_219, %dma_wait3A_220] : memref<3x80x128xf32, #tpu.memory_space<vmem>> -> memref<1x48x128xf32, #tpu.memory_space<vmem>>
      %dma_wait3A_222 = tpu.memref_squeeze %dma_wait3A_221 : memref<1x48x128xf32, #tpu.memory_space<vmem>> -> memref<48x128xf32, #tpu.memory_space<vmem>>
      %dma_wait3A_223 = arith.constant 0 : i32
      %dma_wait3A_224 = tpu.memref_slice %arg7[%add3A_66, %dma_wait3A_223] : memref<10000x128xf32, #tpu.memory_space<vmem_shared>> -> memref<48x128xf32, #tpu.memory_space<vmem_shared>>
      %dma_wait3A_225 = arith.constant 0 : i32
      %dma_wait3A_226 = tpu.memref_slice %arg7[%add3A_66, %dma_wait3A_225] : memref<10000x128xf32, #tpu.memory_space<vmem_shared>> -> memref<48x128xf32, #tpu.memory_space<vmem_shared>>
      %dma_wait3A_227 = arith.constant 0 : i32
      %dma_wait3A_228 = arith.constant 0 : i32
      %dma_wait3A_229 = tpu.memref_slice %arg5[%run_scoped3A_67, %dma_wait3A_227, %dma_wait3A_228] : memref<3x80x128xf32, #tpu.memory_space<vmem>> -> memref<1x48x128xf32, #tpu.memory_space<vmem>>
      %dma_wait3A_230 = tpu.memref_squeeze %dma_wait3A_229 : memref<1x48x128xf32, #tpu.memory_space<vmem>> -> memref<48x128xf32, #tpu.memory_space<vmem>>
      tpu.wait_dma2 semaphore(%run_scoped3A_206 : memref<!tpu.dma_semaphore, #tpu.memory_space<semaphore_mem>>) src(%dma_wait3A_230 : memref<48x128xf32, #tpu.memory_space<vmem>>) dst(%dma_wait3A_226 : memref<48x128xf32, #tpu.memory_space<vmem_shared>>)
      tpu.yield
    }) : () -> ()
    %mul3A_68 = arith.constant 624 : i32
    %mul3A_69 = arith.muli %arg1, %mul3A_68 : i32
    %add3A_70 = arith.constant 288 : i32
    %add3A_71 = arith.addi %mul3A_69, %add3A_70 : i32
    %run_scoped3A_72 = arith.constant 2 : i32
    "tpu.region"() ({
      %run_scoped3A_206 = tpu.sem_alloc : memref<!tpu.dma_semaphore, #tpu.memory_space<semaphore_mem>>
      %dma_start3A_207 = arith.constant 0 : i32
      %dma_start3A_208 = arith.constant 0 : i32
      %dma_start3A_209 = tpu.memref_slice %arg5[%run_scoped3A_72, %dma_start3A_207, %dma_start3A_208] : memref<3x80x128xf32, #tpu.memory_space<vmem>> -> memref<1x48x128xf32, #tpu.memory_space<vmem>>
      %dma_start3A_210 = tpu.memref_squeeze %dma_start3A_209 : memref<1x48x128xf32, #tpu.memory_space<vmem>> -> memref<48x128xf32, #tpu.memory_space<vmem>>
      %dma_start3A_211 = arith.constant 0 : i32
      %dma_start3A_212 = tpu.memref_slice %arg7[%add3A_71, %dma_start3A_211] : memref<10000x128xf32, #tpu.memory_space<vmem_shared>> -> memref<48x128xf32, #tpu.memory_space<vmem_shared>>
      %dma_start3A_213 = arith.constant 0 : i32
      %dma_start3A_214 = tpu.memref_slice %arg7[%add3A_71, %dma_start3A_213] : memref<10000x128xf32, #tpu.memory_space<vmem_shared>> -> memref<48x128xf32, #tpu.memory_space<vmem_shared>>
      %dma_start3A_215 = arith.constant 0 : i32
      %dma_start3A_216 = arith.constant 0 : i32
      %dma_start3A_217 = tpu.memref_slice %arg5[%run_scoped3A_72, %dma_start3A_215, %dma_start3A_216] : memref<3x80x128xf32, #tpu.memory_space<vmem>> -> memref<1x48x128xf32, #tpu.memory_space<vmem>>
      %dma_start3A_218 = tpu.memref_squeeze %dma_start3A_217 : memref<1x48x128xf32, #tpu.memory_space<vmem>> -> memref<48x128xf32, #tpu.memory_space<vmem>>
      tpu.enqueue_dma source(%dma_start3A_218 : memref<48x128xf32, #tpu.memory_space<vmem>>) target(%dma_start3A_214 : memref<48x128xf32, #tpu.memory_space<vmem_shared>>) target_semaphore(%run_scoped3A_206 : memref<!tpu.dma_semaphore, #tpu.memory_space<semaphore_mem>>)
      %dma_wait3A_219 = arith.constant 0 : i32
      %dma_wait3A_220 = arith.constant 0 : i32
      %dma_wait3A_221 = tpu.memref_slice %arg5[%run_scoped3A_72, %dma_wait3A_219, %dma_wait3A_220] : memref<3x80x128xf32, #tpu.memory_space<vmem>> -> memref<1x48x128xf32, #tpu.memory_space<vmem>>
      %dma_wait3A_222 = tpu.memref_squeeze %dma_wait3A_221 : memref<1x48x128xf32, #tpu.memory_space<vmem>> -> memref<48x128xf32, #tpu.memory_space<vmem>>
      %dma_wait3A_223 = arith.constant 0 : i32
      %dma_wait3A_224 = tpu.memref_slice %arg7[%add3A_71, %dma_wait3A_223] : memref<10000x128xf32, #tpu.memory_space<vmem_shared>> -> memref<48x128xf32, #tpu.memory_space<vmem_shared>>
      %dma_wait3A_225 = arith.constant 0 : i32
      %dma_wait3A_226 = tpu.memref_slice %arg7[%add3A_71, %dma_wait3A_225] : memref<10000x128xf32, #tpu.memory_space<vmem_shared>> -> memref<48x128xf32, #tpu.memory_space<vmem_shared>>
      %dma_wait3A_227 = arith.constant 0 : i32
      %dma_wait3A_228 = arith.constant 0 : i32
      %dma_wait3A_229 = tpu.memref_slice %arg5[%run_scoped3A_72, %dma_wait3A_227, %dma_wait3A_228] : memref<3x80x128xf32, #tpu.memory_space<vmem>> -> memref<1x48x128xf32, #tpu.memory_space<vmem>>
      %dma_wait3A_230 = tpu.memref_squeeze %dma_wait3A_229 : memref<1x48x128xf32, #tpu.memory_space<vmem>> -> memref<48x128xf32, #tpu.memory_space<vmem>>
      tpu.wait_dma2 semaphore(%run_scoped3A_206 : memref<!tpu.dma_semaphore, #tpu.memory_space<semaphore_mem>>) src(%dma_wait3A_230 : memref<48x128xf32, #tpu.memory_space<vmem>>) dst(%dma_wait3A_226 : memref<48x128xf32, #tpu.memory_space<vmem_shared>>)
      tpu.yield
    }) : () -> ()
    %mul3A_73 = arith.constant 624 : i32
    %mul3A_74 = arith.muli %arg1, %mul3A_73 : i32
    %add3A_75 = arith.constant 336 : i32
    %add3A_76 = arith.addi %mul3A_74, %add3A_75 : i32
    %run_scoped3A_77 = arith.constant 2 : i32
    "tpu.region"() ({
      %run_scoped3A_206 = tpu.sem_alloc : memref<!tpu.dma_semaphore, #tpu.memory_space<semaphore_mem>>
      %dma_start3A_207 = arith.constant 0 : i32
      %dma_start3A_208 = arith.constant 0 : i32
      %dma_start3A_209 = tpu.memref_slice %arg5[%run_scoped3A_77, %dma_start3A_207, %dma_start3A_208] : memref<3x80x128xf32, #tpu.memory_space<vmem>> -> memref<1x48x128xf32, #tpu.memory_space<vmem>>
      %dma_start3A_210 = tpu.memref_squeeze %dma_start3A_209 : memref<1x48x128xf32, #tpu.memory_space<vmem>> -> memref<48x128xf32, #tpu.memory_space<vmem>>
      %dma_start3A_211 = arith.constant 0 : i32
      %dma_start3A_212 = tpu.memref_slice %arg7[%add3A_76, %dma_start3A_211] : memref<10000x128xf32, #tpu.memory_space<vmem_shared>> -> memref<48x128xf32, #tpu.memory_space<vmem_shared>>
      %dma_start3A_213 = arith.constant 0 : i32
      %dma_start3A_214 = tpu.memref_slice %arg7[%add3A_76, %dma_start3A_213] : memref<10000x128xf32, #tpu.memory_space<vmem_shared>> -> memref<48x128xf32, #tpu.memory_space<vmem_shared>>
      %dma_start3A_215 = arith.constant 0 : i32
      %dma_start3A_216 = arith.constant 0 : i32
      %dma_start3A_217 = tpu.memref_slice %arg5[%run_scoped3A_77, %dma_start3A_215, %dma_start3A_216] : memref<3x80x128xf32, #tpu.memory_space<vmem>> -> memref<1x48x128xf32, #tpu.memory_space<vmem>>
      %dma_start3A_218 = tpu.memref_squeeze %dma_start3A_217 : memref<1x48x128xf32, #tpu.memory_space<vmem>> -> memref<48x128xf32, #tpu.memory_space<vmem>>
      tpu.enqueue_dma source(%dma_start3A_218 : memref<48x128xf32, #tpu.memory_space<vmem>>) target(%dma_start3A_214 : memref<48x128xf32, #tpu.memory_space<vmem_shared>>) target_semaphore(%run_scoped3A_206 : memref<!tpu.dma_semaphore, #tpu.memory_space<semaphore_mem>>)
      %dma_wait3A_219 = arith.constant 0 : i32
      %dma_wait3A_220 = arith.constant 0 : i32
      %dma_wait3A_221 = tpu.memref_slice %arg5[%run_scoped3A_77, %dma_wait3A_219, %dma_wait3A_220] : memref<3x80x128xf32, #tpu.memory_space<vmem>> -> memref<1x48x128xf32, #tpu.memory_space<vmem>>
      %dma_wait3A_222 = tpu.memref_squeeze %dma_wait3A_221 : memref<1x48x128xf32, #tpu.memory_space<vmem>> -> memref<48x128xf32, #tpu.memory_space<vmem>>
      %dma_wait3A_223 = arith.constant 0 : i32
      %dma_wait3A_224 = tpu.memref_slice %arg7[%add3A_76, %dma_wait3A_223] : memref<10000x128xf32, #tpu.memory_space<vmem_shared>> -> memref<48x128xf32, #tpu.memory_space<vmem_shared>>
      %dma_wait3A_225 = arith.constant 0 : i32
      %dma_wait3A_226 = tpu.memref_slice %arg7[%add3A_76, %dma_wait3A_225] : memref<10000x128xf32, #tpu.memory_space<vmem_shared>> -> memref<48x128xf32, #tpu.memory_space<vmem_shared>>
      %dma_wait3A_227 = arith.constant 0 : i32
      %dma_wait3A_228 = arith.constant 0 : i32
      %dma_wait3A_229 = tpu.memref_slice %arg5[%run_scoped3A_77, %dma_wait3A_227, %dma_wait3A_228] : memref<3x80x128xf32, #tpu.memory_space<vmem>> -> memref<1x48x128xf32, #tpu.memory_space<vmem>>
      %dma_wait3A_230 = tpu.memref_squeeze %dma_wait3A_229 : memref<1x48x128xf32, #tpu.memory_space<vmem>> -> memref<48x128xf32, #tpu.memory_space<vmem>>
      tpu.wait_dma2 semaphore(%run_scoped3A_206 : memref<!tpu.dma_semaphore, #tpu.memory_space<semaphore_mem>>) src(%dma_wait3A_230 : memref<48x128xf32, #tpu.memory_space<vmem>>) dst(%dma_wait3A_226 : memref<48x128xf32, #tpu.memory_space<vmem_shared>>)
      tpu.yield
    }) : () -> ()
    %mul3A_78 = arith.constant 624 : i32
    %mul3A_79 = arith.muli %arg1, %mul3A_78 : i32
    %add3A_80 = arith.constant 384 : i32
    %add3A_81 = arith.addi %mul3A_79, %add3A_80 : i32
    %run_scoped3A_82 = arith.constant 2 : i32
    "tpu.region"() ({
      %run_scoped3A_206 = tpu.sem_alloc : memref<!tpu.dma_semaphore, #tpu.memory_space<semaphore_mem>>
      %dma_start3A_207 = arith.constant 0 : i32
      %dma_start3A_208 = arith.constant 0 : i32
      %dma_start3A_209 = tpu.memref_slice %arg5[%run_scoped3A_82, %dma_start3A_207, %dma_start3A_208] : memref<3x80x128xf32, #tpu.memory_space<vmem>> -> memref<1x48x128xf32, #tpu.memory_space<vmem>>
      %dma_start3A_210 = tpu.memref_squeeze %dma_start3A_209 : memref<1x48x128xf32, #tpu.memory_space<vmem>> -> memref<48x128xf32, #tpu.memory_space<vmem>>
      %dma_start3A_211 = arith.constant 0 : i32
      %dma_start3A_212 = tpu.memref_slice %arg7[%add3A_81, %dma_start3A_211] : memref<10000x128xf32, #tpu.memory_space<vmem_shared>> -> memref<48x128xf32, #tpu.memory_space<vmem_shared>>
      %dma_start3A_213 = arith.constant 0 : i32
      %dma_start3A_214 = tpu.memref_slice %arg7[%add3A_81, %dma_start3A_213] : memref<10000x128xf32, #tpu.memory_space<vmem_shared>> -> memref<48x128xf32, #tpu.memory_space<vmem_shared>>
      %dma_start3A_215 = arith.constant 0 : i32
      %dma_start3A_216 = arith.constant 0 : i32
      %dma_start3A_217 = tpu.memref_slice %arg5[%run_scoped3A_82, %dma_start3A_215, %dma_start3A_216] : memref<3x80x128xf32, #tpu.memory_space<vmem>> -> memref<1x48x128xf32, #tpu.memory_space<vmem>>
      %dma_start3A_218 = tpu.memref_squeeze %dma_start3A_217 : memref<1x48x128xf32, #tpu.memory_space<vmem>> -> memref<48x128xf32, #tpu.memory_space<vmem>>
      tpu.enqueue_dma source(%dma_start3A_218 : memref<48x128xf32, #tpu.memory_space<vmem>>) target(%dma_start3A_214 : memref<48x128xf32, #tpu.memory_space<vmem_shared>>) target_semaphore(%run_scoped3A_206 : memref<!tpu.dma_semaphore, #tpu.memory_space<semaphore_mem>>)
      %dma_wait3A_219 = arith.constant 0 : i32
      %dma_wait3A_220 = arith.constant 0 : i32
      %dma_wait3A_221 = tpu.memref_slice %arg5[%run_scoped3A_82, %dma_wait3A_219, %dma_wait3A_220] : memref<3x80x128xf32, #tpu.memory_space<vmem>> -> memref<1x48x128xf32, #tpu.memory_space<vmem>>
      %dma_wait3A_222 = tpu.memref_squeeze %dma_wait3A_221 : memref<1x48x128xf32, #tpu.memory_space<vmem>> -> memref<48x128xf32, #tpu.memory_space<vmem>>
      %dma_wait3A_223 = arith.constant 0 : i32
      %dma_wait3A_224 = tpu.memref_slice %arg7[%add3A_81, %dma_wait3A_223] : memref<10000x128xf32, #tpu.memory_space<vmem_shared>> -> memref<48x128xf32, #tpu.memory_space<vmem_shared>>
      %dma_wait3A_225 = arith.constant 0 : i32
      %dma_wait3A_226 = tpu.memref_slice %arg7[%add3A_81, %dma_wait3A_225] : memref<10000x128xf32, #tpu.memory_space<vmem_shared>> -> memref<48x128xf32, #tpu.memory_space<vmem_shared>>
      %dma_wait3A_227 = arith.constant 0 : i32
      %dma_wait3A_228 = arith.constant 0 : i32
      %dma_wait3A_229 = tpu.memref_slice %arg5[%run_scoped3A_82, %dma_wait3A_227, %dma_wait3A_228] : memref<3x80x128xf32, #tpu.memory_space<vmem>> -> memref<1x48x128xf32, #tpu.memory_space<vmem>>
      %dma_wait3A_230 = tpu.memref_squeeze %dma_wait3A_229 : memref<1x48x128xf32, #tpu.memory_space<vmem>> -> memref<48x128xf32, #tpu.memory_space<vmem>>
      tpu.wait_dma2 semaphore(%run_scoped3A_206 : memref<!tpu.dma_semaphore, #tpu.memory_space<semaphore_mem>>) src(%dma_wait3A_230 : memref<48x128xf32, #tpu.memory_space<vmem>>) dst(%dma_wait3A_226 : memref<48x128xf32, #tpu.memory_space<vmem_shared>>)
      tpu.yield
    }) : () -> ()
    %mul3A_83 = arith.constant 624 : i32
    %mul3A_84 = arith.muli %arg1, %mul3A_83 : i32
    %add3A_85 = arith.constant 432 : i32
    %add3A_86 = arith.addi %mul3A_84, %add3A_85 : i32
    %run_scoped3A_87 = arith.constant 2 : i32
    "tpu.region"() ({
      %run_scoped3A_206 = tpu.sem_alloc : memref<!tpu.dma_semaphore, #tpu.memory_space<semaphore_mem>>
      %dma_start3A_207 = arith.constant 0 : i32
      %dma_start3A_208 = arith.constant 0 : i32
      %dma_start3A_209 = tpu.memref_slice %arg5[%run_scoped3A_87, %dma_start3A_207, %dma_start3A_208] : memref<3x80x128xf32, #tpu.memory_space<vmem>> -> memref<1x48x128xf32, #tpu.memory_space<vmem>>
      %dma_start3A_210 = tpu.memref_squeeze %dma_start3A_209 : memref<1x48x128xf32, #tpu.memory_space<vmem>> -> memref<48x128xf32, #tpu.memory_space<vmem>>
      %dma_start3A_211 = arith.constant 0 : i32
      %dma_start3A_212 = tpu.memref_slice %arg7[%add3A_86, %dma_start3A_211] : memref<10000x128xf32, #tpu.memory_space<vmem_shared>> -> memref<48x128xf32, #tpu.memory_space<vmem_shared>>
      %dma_start3A_213 = arith.constant 0 : i32
      %dma_start3A_214 = tpu.memref_slice %arg7[%add3A_86, %dma_start3A_213] : memref<10000x128xf32, #tpu.memory_space<vmem_shared>> -> memref<48x128xf32, #tpu.memory_space<vmem_shared>>
      %dma_start3A_215 = arith.constant 0 : i32
      %dma_start3A_216 = arith.constant 0 : i32
      %dma_start3A_217 = tpu.memref_slice %arg5[%run_scoped3A_87, %dma_start3A_215, %dma_start3A_216] : memref<3x80x128xf32, #tpu.memory_space<vmem>> -> memref<1x48x128xf32, #tpu.memory_space<vmem>>
      %dma_start3A_218 = tpu.memref_squeeze %dma_start3A_217 : memref<1x48x128xf32, #tpu.memory_space<vmem>> -> memref<48x128xf32, #tpu.memory_space<vmem>>
      tpu.enqueue_dma source(%dma_start3A_218 : memref<48x128xf32, #tpu.memory_space<vmem>>) target(%dma_start3A_214 : memref<48x128xf32, #tpu.memory_space<vmem_shared>>) target_semaphore(%run_scoped3A_206 : memref<!tpu.dma_semaphore, #tpu.memory_space<semaphore_mem>>)
      %dma_wait3A_219 = arith.constant 0 : i32
      %dma_wait3A_220 = arith.constant 0 : i32
      %dma_wait3A_221 = tpu.memref_slice %arg5[%run_scoped3A_87, %dma_wait3A_219, %dma_wait3A_220] : memref<3x80x128xf32, #tpu.memory_space<vmem>> -> memref<1x48x128xf32, #tpu.memory_space<vmem>>
      %dma_wait3A_222 = tpu.memref_squeeze %dma_wait3A_221 : memref<1x48x128xf32, #tpu.memory_space<vmem>> -> memref<48x128xf32, #tpu.memory_space<vmem>>
      %dma_wait3A_223 = arith.constant 0 : i32
      %dma_wait3A_224 = tpu.memref_slice %arg7[%add3A_86, %dma_wait3A_223] : memref<10000x128xf32, #tpu.memory_space<vmem_shared>> -> memref<48x128xf32, #tpu.memory_space<vmem_shared>>
      %dma_wait3A_225 = arith.constant 0 : i32
      %dma_wait3A_226 = tpu.memref_slice %arg7[%add3A_86, %dma_wait3A_225] : memref<10000x128xf32, #tpu.memory_space<vmem_shared>> -> memref<48x128xf32, #tpu.memory_space<vmem_shared>>
      %dma_wait3A_227 = arith.constant 0 : i32
      %dma_wait3A_228 = arith.constant 0 : i32
      %dma_wait3A_229 = tpu.memref_slice %arg5[%run_scoped3A_87, %dma_wait3A_227, %dma_wait3A_228] : memref<3x80x128xf32, #tpu.memory_space<vmem>> -> memref<1x48x128xf32, #tpu.memory_space<vmem>>
      %dma_wait3A_230 = tpu.memref_squeeze %dma_wait3A_229 : memref<1x48x128xf32, #tpu.memory_space<vmem>> -> memref<48x128xf32, #tpu.memory_space<vmem>>
      tpu.wait_dma2 semaphore(%run_scoped3A_206 : memref<!tpu.dma_semaphore, #tpu.memory_space<semaphore_mem>>) src(%dma_wait3A_230 : memref<48x128xf32, #tpu.memory_space<vmem>>) dst(%dma_wait3A_226 : memref<48x128xf32, #tpu.memory_space<vmem_shared>>)
      tpu.yield
    }) : () -> ()
    %mul3A_88 = arith.constant 624 : i32
    %mul3A_89 = arith.muli %arg1, %mul3A_88 : i32
    %add3A_90 = arith.constant 480 : i32
    %add3A_91 = arith.addi %mul3A_89, %add3A_90 : i32
    %run_scoped3A_92 = arith.constant 2 : i32
    "tpu.region"() ({
      %run_scoped3A_206 = tpu.sem_alloc : memref<!tpu.dma_semaphore, #tpu.memory_space<semaphore_mem>>
      %dma_start3A_207 = arith.constant 0 : i32
      %dma_start3A_208 = arith.constant 0 : i32
      %dma_start3A_209 = tpu.memref_slice %arg5[%run_scoped3A_92, %dma_start3A_207, %dma_start3A_208] : memref<3x80x128xf32, #tpu.memory_space<vmem>> -> memref<1x48x128xf32, #tpu.memory_space<vmem>>
      %dma_start3A_210 = tpu.memref_squeeze %dma_start3A_209 : memref<1x48x128xf32, #tpu.memory_space<vmem>> -> memref<48x128xf32, #tpu.memory_space<vmem>>
      %dma_start3A_211 = arith.constant 0 : i32
      %dma_start3A_212 = tpu.memref_slice %arg7[%add3A_91, %dma_start3A_211] : memref<10000x128xf32, #tpu.memory_space<vmem_shared>> -> memref<48x128xf32, #tpu.memory_space<vmem_shared>>
      %dma_start3A_213 = arith.constant 0 : i32
      %dma_start3A_214 = tpu.memref_slice %arg7[%add3A_91, %dma_start3A_213] : memref<10000x128xf32, #tpu.memory_space<vmem_shared>> -> memref<48x128xf32, #tpu.memory_space<vmem_shared>>
      %dma_start3A_215 = arith.constant 0 : i32
      %dma_start3A_216 = arith.constant 0 : i32
      %dma_start3A_217 = tpu.memref_slice %arg5[%run_scoped3A_92, %dma_start3A_215, %dma_start3A_216] : memref<3x80x128xf32, #tpu.memory_space<vmem>> -> memref<1x48x128xf32, #tpu.memory_space<vmem>>
      %dma_start3A_218 = tpu.memref_squeeze %dma_start3A_217 : memref<1x48x128xf32, #tpu.memory_space<vmem>> -> memref<48x128xf32, #tpu.memory_space<vmem>>
      tpu.enqueue_dma source(%dma_start3A_218 : memref<48x128xf32, #tpu.memory_space<vmem>>) target(%dma_start3A_214 : memref<48x128xf32, #tpu.memory_space<vmem_shared>>) target_semaphore(%run_scoped3A_206 : memref<!tpu.dma_semaphore, #tpu.memory_space<semaphore_mem>>)
      %dma_wait3A_219 = arith.constant 0 : i32
      %dma_wait3A_220 = arith.constant 0 : i32
      %dma_wait3A_221 = tpu.memref_slice %arg5[%run_scoped3A_92, %dma_wait3A_219, %dma_wait3A_220] : memref<3x80x128xf32, #tpu.memory_space<vmem>> -> memref<1x48x128xf32, #tpu.memory_space<vmem>>
      %dma_wait3A_222 = tpu.memref_squeeze %dma_wait3A_221 : memref<1x48x128xf32, #tpu.memory_space<vmem>> -> memref<48x128xf32, #tpu.memory_space<vmem>>
      %dma_wait3A_223 = arith.constant 0 : i32
      %dma_wait3A_224 = tpu.memref_slice %arg7[%add3A_91, %dma_wait3A_223] : memref<10000x128xf32, #tpu.memory_space<vmem_shared>> -> memref<48x128xf32, #tpu.memory_space<vmem_shared>>
      %dma_wait3A_225 = arith.constant 0 : i32
      %dma_wait3A_226 = tpu.memref_slice %arg7[%add3A_91, %dma_wait3A_225] : memref<10000x128xf32, #tpu.memory_space<vmem_shared>> -> memref<48x128xf32, #tpu.memory_space<vmem_shared>>
      %dma_wait3A_227 = arith.constant 0 : i32
      %dma_wait3A_228 = arith.constant 0 : i32
      %dma_wait3A_229 = tpu.memref_slice %arg5[%run_scoped3A_92, %dma_wait3A_227, %dma_wait3A_228] : memref<3x80x128xf32, #tpu.memory_space<vmem>> -> memref<1x48x128xf32, #tpu.memory_space<vmem>>
      %dma_wait3A_230 = tpu.memref_squeeze %dma_wait3A_229 : memref<1x48x128xf32, #tpu.memory_space<vmem>> -> memref<48x128xf32, #tpu.memory_space<vmem>>
      tpu.wait_dma2 semaphore(%run_scoped3A_206 : memref<!tpu.dma_semaphore, #tpu.memory_space<semaphore_mem>>) src(%dma_wait3A_230 : memref<48x128xf32, #tpu.memory_space<vmem>>) dst(%dma_wait3A_226 : memref<48x128xf32, #tpu.memory_space<vmem_shared>>)
      tpu.yield
    }) : () -> ()
    %mul3A_93 = arith.constant 624 : i32
    %mul3A_94 = arith.muli %arg1, %mul3A_93 : i32
    %add3A_95 = arith.constant 528 : i32
    %add3A_96 = arith.addi %mul3A_94, %add3A_95 : i32
    %run_scoped3A_97 = arith.constant 2 : i32
    "tpu.region"() ({
      %run_scoped3A_206 = tpu.sem_alloc : memref<!tpu.dma_semaphore, #tpu.memory_space<semaphore_mem>>
      %dma_start3A_207 = arith.constant 0 : i32
      %dma_start3A_208 = arith.constant 0 : i32
      %dma_start3A_209 = tpu.memref_slice %arg5[%run_scoped3A_97, %dma_start3A_207, %dma_start3A_208] : memref<3x80x128xf32, #tpu.memory_space<vmem>> -> memref<1x48x128xf32, #tpu.memory_space<vmem>>
      %dma_start3A_210 = tpu.memref_squeeze %dma_start3A_209 : memref<1x48x128xf32, #tpu.memory_space<vmem>> -> memref<48x128xf32, #tpu.memory_space<vmem>>
      %dma_start3A_211 = arith.constant 0 : i32
      %dma_start3A_212 = tpu.memref_slice %arg7[%add3A_96, %dma_start3A_211] : memref<10000x128xf32, #tpu.memory_space<vmem_shared>> -> memref<48x128xf32, #tpu.memory_space<vmem_shared>>
      %dma_start3A_213 = arith.constant 0 : i32
      %dma_start3A_214 = tpu.memref_slice %arg7[%add3A_96, %dma_start3A_213] : memref<10000x128xf32, #tpu.memory_space<vmem_shared>> -> memref<48x128xf32, #tpu.memory_space<vmem_shared>>
      %dma_start3A_215 = arith.constant 0 : i32
      %dma_start3A_216 = arith.constant 0 : i32
      %dma_start3A_217 = tpu.memref_slice %arg5[%run_scoped3A_97, %dma_start3A_215, %dma_start3A_216] : memref<3x80x128xf32, #tpu.memory_space<vmem>> -> memref<1x48x128xf32, #tpu.memory_space<vmem>>
      %dma_start3A_218 = tpu.memref_squeeze %dma_start3A_217 : memref<1x48x128xf32, #tpu.memory_space<vmem>> -> memref<48x128xf32, #tpu.memory_space<vmem>>
      tpu.enqueue_dma source(%dma_start3A_218 : memref<48x128xf32, #tpu.memory_space<vmem>>) target(%dma_start3A_214 : memref<48x128xf32, #tpu.memory_space<vmem_shared>>) target_semaphore(%run_scoped3A_206 : memref<!tpu.dma_semaphore, #tpu.memory_space<semaphore_mem>>)
      %dma_wait3A_219 = arith.constant 0 : i32
      %dma_wait3A_220 = arith.constant 0 : i32
      %dma_wait3A_221 = tpu.memref_slice %arg5[%run_scoped3A_97, %dma_wait3A_219, %dma_wait3A_220] : memref<3x80x128xf32, #tpu.memory_space<vmem>> -> memref<1x48x128xf32, #tpu.memory_space<vmem>>
      %dma_wait3A_222 = tpu.memref_squeeze %dma_wait3A_221 : memref<1x48x128xf32, #tpu.memory_space<vmem>> -> memref<48x128xf32, #tpu.memory_space<vmem>>
      %dma_wait3A_223 = arith.constant 0 : i32
      %dma_wait3A_224 = tpu.memref_slice %arg7[%add3A_96, %dma_wait3A_223] : memref<10000x128xf32, #tpu.memory_space<vmem_shared>> -> memref<48x128xf32, #tpu.memory_space<vmem_shared>>
      %dma_wait3A_225 = arith.constant 0 : i32
      %dma_wait3A_226 = tpu.memref_slice %arg7[%add3A_96, %dma_wait3A_225] : memref<10000x128xf32, #tpu.memory_space<vmem_shared>> -> memref<48x128xf32, #tpu.memory_space<vmem_shared>>
      %dma_wait3A_227 = arith.constant 0 : i32
      %dma_wait3A_228 = arith.constant 0 : i32
      %dma_wait3A_229 = tpu.memref_slice %arg5[%run_scoped3A_97, %dma_wait3A_227, %dma_wait3A_228] : memref<3x80x128xf32, #tpu.memory_space<vmem>> -> memref<1x48x128xf32, #tpu.memory_space<vmem>>
      %dma_wait3A_230 = tpu.memref_squeeze %dma_wait3A_229 : memref<1x48x128xf32, #tpu.memory_space<vmem>> -> memref<48x128xf32, #tpu.memory_space<vmem>>
      tpu.wait_dma2 semaphore(%run_scoped3A_206 : memref<!tpu.dma_semaphore, #tpu.memory_space<semaphore_mem>>) src(%dma_wait3A_230 : memref<48x128xf32, #tpu.memory_space<vmem>>) dst(%dma_wait3A_226 : memref<48x128xf32, #tpu.memory_space<vmem_shared>>)
      tpu.yield
    }) : () -> ()
    %mul3A_98 = arith.constant 624 : i32
    %mul3A_99 = arith.muli %arg1, %mul3A_98 : i32
    %add3A_100 = arith.constant 576 : i32
    %add3A_101 = arith.addi %mul3A_99, %add3A_100 : i32
    %run_scoped3A_102 = arith.constant 2 : i32
    "tpu.region"() ({
      %run_scoped3A_206 = tpu.sem_alloc : memref<!tpu.dma_semaphore, #tpu.memory_space<semaphore_mem>>
      %dma_start3A_207 = arith.constant 0 : i32
      %dma_start3A_208 = arith.constant 0 : i32
      %dma_start3A_209 = tpu.memref_slice %arg5[%run_scoped3A_102, %dma_start3A_207, %dma_start3A_208] : memref<3x80x128xf32, #tpu.memory_space<vmem>> -> memref<1x48x128xf32, #tpu.memory_space<vmem>>
      %dma_start3A_210 = tpu.memref_squeeze %dma_start3A_209 : memref<1x48x128xf32, #tpu.memory_space<vmem>> -> memref<48x128xf32, #tpu.memory_space<vmem>>
      %dma_start3A_211 = arith.constant 0 : i32
      %dma_start3A_212 = tpu.memref_slice %arg7[%add3A_101, %dma_start3A_211] : memref<10000x128xf32, #tpu.memory_space<vmem_shared>> -> memref<48x128xf32, #tpu.memory_space<vmem_shared>>
      %dma_start3A_213 = arith.constant 0 : i32
      %dma_start3A_214 = tpu.memref_slice %arg7[%add3A_101, %dma_start3A_213] : memref<10000x128xf32, #tpu.memory_space<vmem_shared>> -> memref<48x128xf32, #tpu.memory_space<vmem_shared>>
      %dma_start3A_215 = arith.constant 0 : i32
      %dma_start3A_216 = arith.constant 0 : i32
      %dma_start3A_217 = tpu.memref_slice %arg5[%run_scoped3A_102, %dma_start3A_215, %dma_start3A_216] : memref<3x80x128xf32, #tpu.memory_space<vmem>> -> memref<1x48x128xf32, #tpu.memory_space<vmem>>
      %dma_start3A_218 = tpu.memref_squeeze %dma_start3A_217 : memref<1x48x128xf32, #tpu.memory_space<vmem>> -> memref<48x128xf32, #tpu.memory_space<vmem>>
      tpu.enqueue_dma source(%dma_start3A_218 : memref<48x128xf32, #tpu.memory_space<vmem>>) target(%dma_start3A_214 : memref<48x128xf32, #tpu.memory_space<vmem_shared>>) target_semaphore(%run_scoped3A_206 : memref<!tpu.dma_semaphore, #tpu.memory_space<semaphore_mem>>)
      %dma_wait3A_219 = arith.constant 0 : i32
      %dma_wait3A_220 = arith.constant 0 : i32
      %dma_wait3A_221 = tpu.memref_slice %arg5[%run_scoped3A_102, %dma_wait3A_219, %dma_wait3A_220] : memref<3x80x128xf32, #tpu.memory_space<vmem>> -> memref<1x48x128xf32, #tpu.memory_space<vmem>>
      %dma_wait3A_222 = tpu.memref_squeeze %dma_wait3A_221 : memref<1x48x128xf32, #tpu.memory_space<vmem>> -> memref<48x128xf32, #tpu.memory_space<vmem>>
      %dma_wait3A_223 = arith.constant 0 : i32
      %dma_wait3A_224 = tpu.memref_slice %arg7[%add3A_101, %dma_wait3A_223] : memref<10000x128xf32, #tpu.memory_space<vmem_shared>> -> memref<48x128xf32, #tpu.memory_space<vmem_shared>>
      %dma_wait3A_225 = arith.constant 0 : i32
      %dma_wait3A_226 = tpu.memref_slice %arg7[%add3A_101, %dma_wait3A_225] : memref<10000x128xf32, #tpu.memory_space<vmem_shared>> -> memref<48x128xf32, #tpu.memory_space<vmem_shared>>
      %dma_wait3A_227 = arith.constant 0 : i32
      %dma_wait3A_228 = arith.constant 0 : i32
      %dma_wait3A_229 = tpu.memref_slice %arg5[%run_scoped3A_102, %dma_wait3A_227, %dma_wait3A_228] : memref<3x80x128xf32, #tpu.memory_space<vmem>> -> memref<1x48x128xf32, #tpu.memory_space<vmem>>
      %dma_wait3A_230 = tpu.memref_squeeze %dma_wait3A_229 : memref<1x48x128xf32, #tpu.memory_space<vmem>> -> memref<48x128xf32, #tpu.memory_space<vmem>>
      tpu.wait_dma2 semaphore(%run_scoped3A_206 : memref<!tpu.dma_semaphore, #tpu.memory_space<semaphore_mem>>) src(%dma_wait3A_230 : memref<48x128xf32, #tpu.memory_space<vmem>>) dst(%dma_wait3A_226 : memref<48x128xf32, #tpu.memory_space<vmem_shared>>)
      tpu.yield
    }) : () -> ()
    %eq3A = arith.constant 15 : i32
    %eq3A_103 = arith.cmpi eq, %arg1, %eq3A : i32
    %convert_element_type3A = arith.extui %eq3A_103 : i1 to i32
    %cond3A = arith.constant 0 : i32
    %cond3A_104 = arith.cmpi ne, %convert_element_type3A, %cond3A : i32
    scf.if %cond3A_104 {
      %run_scoped3A_206 = arith.constant 2 : i32
      "tpu.region"() ({
        %run_scoped3A_207 = tpu.sem_alloc : memref<!tpu.dma_semaphore, #tpu.memory_space<semaphore_mem>>
        %dma_start3A_208 = arith.constant 0 : i32
        %dma_start3A_209 = arith.constant 0 : i32
        %dma_start3A_210 = tpu.memref_slice %arg5[%run_scoped3A_206, %dma_start3A_208, %dma_start3A_209] : memref<3x80x128xf32, #tpu.memory_space<vmem>> -> memref<1x16x128xf32, #tpu.memory_space<vmem>>
        %dma_start3A_211 = tpu.memref_squeeze %dma_start3A_210 : memref<1x16x128xf32, #tpu.memory_space<vmem>> -> memref<16x128xf32, #tpu.memory_space<vmem>>
        %dma_start3A_212 = arith.constant 9984 : i32
        %dma_start3A_213 = arith.constant 0 : i32
        %dma_start3A_214 = tpu.memref_slice %arg7[%dma_start3A_212, %dma_start3A_213] : memref<10000x128xf32, #tpu.memory_space<vmem_shared>> -> memref<16x128xf32, #tpu.memory_space<vmem_shared>>
        %dma_start3A_215 = arith.constant 9984 : i32
        %dma_start3A_216 = arith.constant 0 : i32
        %dma_start3A_217 = tpu.memref_slice %arg7[%dma_start3A_215, %dma_start3A_216] : memref<10000x128xf32, #tpu.memory_space<vmem_shared>> -> memref<16x128xf32, #tpu.memory_space<vmem_shared>>
        %dma_start3A_218 = arith.constant 0 : i32
        %dma_start3A_219 = arith.constant 0 : i32
        %dma_start3A_220 = tpu.memref_slice %arg5[%run_scoped3A_206, %dma_start3A_218, %dma_start3A_219] : memref<3x80x128xf32, #tpu.memory_space<vmem>> -> memref<1x16x128xf32, #tpu.memory_space<vmem>>
        %dma_start3A_221 = tpu.memref_squeeze %dma_start3A_220 : memref<1x16x128xf32, #tpu.memory_space<vmem>> -> memref<16x128xf32, #tpu.memory_space<vmem>>
        tpu.enqueue_dma source(%dma_start3A_221 : memref<16x128xf32, #tpu.memory_space<vmem>>) target(%dma_start3A_217 : memref<16x128xf32, #tpu.memory_space<vmem_shared>>) target_semaphore(%run_scoped3A_207 : memref<!tpu.dma_semaphore, #tpu.memory_space<semaphore_mem>>)
        %dma_wait3A_222 = arith.constant 0 : i32
        %dma_wait3A_223 = arith.constant 0 : i32
        %dma_wait3A_224 = tpu.memref_slice %arg5[%run_scoped3A_206, %dma_wait3A_222, %dma_wait3A_223] : memref<3x80x128xf32, #tpu.memory_space<vmem>> -> memref<1x16x128xf32, #tpu.memory_space<vmem>>
        %dma_wait3A_225 = tpu.memref_squeeze %dma_wait3A_224 : memref<1x16x128xf32, #tpu.memory_space<vmem>> -> memref<16x128xf32, #tpu.memory_space<vmem>>
        %dma_wait3A_226 = arith.constant 9984 : i32
        %dma_wait3A_227 = arith.constant 0 : i32
        %dma_wait3A_228 = tpu.memref_slice %arg7[%dma_wait3A_226, %dma_wait3A_227] : memref<10000x128xf32, #tpu.memory_space<vmem_shared>> -> memref<16x128xf32, #tpu.memory_space<vmem_shared>>
        %dma_wait3A_229 = arith.constant 9984 : i32
        %dma_wait3A_230 = arith.constant 0 : i32
        %dma_wait3A_231 = tpu.memref_slice %arg7[%dma_wait3A_229, %dma_wait3A_230] : memref<10000x128xf32, #tpu.memory_space<vmem_shared>> -> memref<16x128xf32, #tpu.memory_space<vmem_shared>>
        %dma_wait3A_232 = arith.constant 0 : i32
        %dma_wait3A_233 = arith.constant 0 : i32
        %dma_wait3A_234 = tpu.memref_slice %arg5[%run_scoped3A_206, %dma_wait3A_232, %dma_wait3A_233] : memref<3x80x128xf32, #tpu.memory_space<vmem>> -> memref<1x16x128xf32, #tpu.memory_space<vmem>>
        %dma_wait3A_235 = tpu.memref_squeeze %dma_wait3A_234 : memref<1x16x128xf32, #tpu.memory_space<vmem>> -> memref<16x128xf32, #tpu.memory_space<vmem>>
        tpu.wait_dma2 semaphore(%run_scoped3A_207 : memref<!tpu.dma_semaphore, #tpu.memory_space<semaphore_mem>>) src(%dma_wait3A_235 : memref<16x128xf32, #tpu.memory_space<vmem>>) dst(%dma_wait3A_231 : memref<16x128xf32, #tpu.memory_space<vmem_shared>>)
        tpu.yield
      }) : () -> ()
    } else {
    }
    %barrier3A = arith.constant 0 : index
    tpu.barrier barrier_id(%barrier3A)
    %scan3A_105 = arith.constant 0 : i32
    %scan3A_106 = arith.constant 0 : i32
    %scan3A_107 = arith.constant 41 : i32
    %scan3A_108 = arith.addi %scan3A_106, %scan3A_107 : i32
    %scan3A_109 = arith.constant 1 : i32
    scf.for %scan3A_206 = %scan3A_106 to %scan3A_108 step %scan3A_109  : i32 {
      %mul3A_207 = arith.constant 3 : i32
      %mul3A_208 = arith.muli %mul3A_207, %scan3A_206 : i32
      %add3A_209 = arith.constant 0 : i32
      %add3A_210 = arith.addi %mul3A_208, %add3A_209 : i32
      %dma_wait3A_211 = arith.constant 0 : i32
      %dma_wait3A_212 = arith.constant 0 : i32
      %dma_wait3A_213 = arith.constant 0 : i32
      %dma_wait3A_214 = tpu.memref_slice %arg5[%dma_wait3A_211, %dma_wait3A_212, %dma_wait3A_213] : memref<3x80x128xf32, #tpu.memory_space<vmem>> -> memref<1x80x128xf32, #tpu.memory_space<vmem>>
      %dma_wait3A_215 = tpu.memref_squeeze %dma_wait3A_214 : memref<1x80x128xf32, #tpu.memory_space<vmem>> -> memref<80x128xf32, #tpu.memory_space<vmem>>
      %dma_wait3A_216 = arith.constant 0 : i32
      %dma_wait3A_217 = tpu.memref_slice %arg2[%mul3A_2, %dma_wait3A_216] : memref<320000x128xf32, #tpu.memory_space<hbm>> -> memref<80x128xf32, #tpu.memory_space<hbm>>
      %dma_wait3A_218 = arith.constant 0 : i32
      %dma_wait3A_219 = arith.constant 0 : i32
      %dma_wait3A_220 = tpu.memref_slice %arg5[%dma_wait3A_211, %dma_wait3A_218, %dma_wait3A_219] : memref<3x80x128xf32, #tpu.memory_space<vmem>> -> memref<1x80x128xf32, #tpu.memory_space<vmem>>
      %dma_wait3A_221 = tpu.memref_squeeze %dma_wait3A_220 : memref<1x80x128xf32, #tpu.memory_space<vmem>> -> memref<80x128xf32, #tpu.memory_space<vmem>>
      %dma_wait3A_222 = arith.constant 0 : i32
      %dma_wait3A_223 = tpu.memref_slice %arg2[%mul3A_2, %dma_wait3A_222] : memref<320000x128xf32, #tpu.memory_space<hbm>> -> memref<80x128xf32, #tpu.memory_space<hbm>>
      tpu.wait_dma2 semaphore(%arg8 : memref<!tpu.dma_semaphore, #tpu.memory_space<semaphore_mem>>) src(%dma_wait3A_223 : memref<80x128xf32, #tpu.memory_space<hbm>>) dst(%dma_wait3A_221 : memref<80x128xf32, #tpu.memory_space<vmem>>)
      %dma_start3A_224 = arith.constant 0 : i32
      %dma_start3A_225 = arith.constant 0 : i32
      %dma_start3A_226 = arith.constant 0 : i32
      %dma_start3A_227 = tpu.memref_slice %arg5[%dma_start3A_224, %dma_start3A_225, %dma_start3A_226] : memref<3x80x128xf32, #tpu.memory_space<vmem>> -> memref<1x80x128xf32, #tpu.memory_space<vmem>>
      %dma_start3A_228 = tpu.memref_squeeze %dma_start3A_227 : memref<1x80x128xf32, #tpu.memory_space<vmem>> -> memref<80x128xf32, #tpu.memory_space<vmem>>
      %dma_start3A_229 = arith.constant 0 : i32
      %dma_start3A_230 = tpu.memref_slice %arg6[%add3A_210, %dma_start3A_229] : memref<125x80xi32, #tpu.memory_space<vmem>> -> memref<1x80xi32, #tpu.memory_space<vmem>>
      %dma_start3A_231 = tpu.memref_squeeze %dma_start3A_230 : memref<1x80xi32, #tpu.memory_space<vmem>> -> memref<80xi32, #tpu.memory_space<vmem>>
      %dma_start3A_232 = arith.constant 0 : i32
      %dma_start3A_233 = arith.constant 0 : i32
      %dma_start3A_234 = tpu.memref_slice %arg7[%dma_start3A_232, %dma_start3A_233] : memref<10000x128xf32, #tpu.memory_space<vmem_shared>> -> memref<10000x128xf32, #tpu.memory_space<vmem_shared>>
      tpu.enqueue_indirect_dma source(%dma_start3A_228 : memref<80x128xf32, #tpu.memory_space<vmem>>) target(%dma_start3A_234 : memref<10000x128xf32, #tpu.memory_space<vmem_shared>>) offsets(%dma_start3A_231 : memref<80xi32, #tpu.memory_space<vmem>>) semaphore(%arg11 : memref<!tpu.dma_semaphore, #tpu.memory_space<semaphore_mem>>) {add = true}
      %ge3A = arith.constant 1 : i32
      %ge3A_235 = arith.cmpi sge, %add3A_210, %ge3A : i32
      %convert_element_type3A_236 = arith.extui %ge3A_235 : i1 to i32
      %cond3A_237 = arith.constant 0 : i32
      %cond3A_238 = arith.cmpi ne, %convert_element_type3A_236, %cond3A_237 : i32
      scf.if %cond3A_238 {
        %dma_wait3A_359 = arith.constant 2 : i32
        %dma_wait3A_360 = arith.constant 0 : i32
        %dma_wait3A_361 = arith.constant 0 : i32
        %dma_wait3A_362 = arith.constant 0 : i32
        %dma_wait3A_363 = tpu.memref_slice %arg5[%dma_wait3A_359, %dma_wait3A_361, %dma_wait3A_362] : memref<3x80x128xf32, #tpu.memory_space<vmem>> -> memref<1x80x128xf32, #tpu.memory_space<vmem>>
        %dma_wait3A_364 = tpu.memref_squeeze %dma_wait3A_363 : memref<1x80x128xf32, #tpu.memory_space<vmem>> -> memref<80x128xf32, #tpu.memory_space<vmem>>
        %dma_wait3A_365 = arith.constant 0 : i32
        %dma_wait3A_366 = tpu.memref_slice %arg6[%dma_wait3A_360, %dma_wait3A_365] : memref<125x80xi32, #tpu.memory_space<vmem>> -> memref<1x80xi32, #tpu.memory_space<vmem>>
        %dma_wait3A_367 = tpu.memref_squeeze %dma_wait3A_366 : memref<1x80xi32, #tpu.memory_space<vmem>> -> memref<80xi32, #tpu.memory_space<vmem>>
        %dma_wait3A_368 = arith.constant 0 : i32
        %dma_wait3A_369 = arith.constant 0 : i32
        %dma_wait3A_370 = tpu.memref_slice %arg7[%dma_wait3A_368, %dma_wait3A_369] : memref<10000x128xf32, #tpu.memory_space<vmem_shared>> -> memref<10000x128xf32, #tpu.memory_space<vmem_shared>>
        tpu.wait_indirect_dma semaphore(%arg13 : memref<!tpu.dma_semaphore, #tpu.memory_space<semaphore_mem>>) src(%dma_wait3A_364 : memref<80x128xf32, #tpu.memory_space<vmem>>) dst(%dma_wait3A_370 : memref<10000x128xf32, #tpu.memory_space<vmem_shared>>)
      } else {
      }
      %add3A_239 = arith.constant 2 : i32
      %add3A_240 = arith.addi %add3A_210, %add3A_239 : i32
      %mul3A_241 = arith.constant 80 : i32
      %mul3A_242 = arith.muli %add3A_240, %mul3A_241 : i32
      %add3A_243 = arith.addi %mul3A_2, %mul3A_242 : i32
      %dma_start3A_244 = arith.constant 2 : i32
      %dma_start3A_245 = arith.constant 0 : i32
      %dma_start3A_246 = arith.constant 0 : i32
      %dma_start3A_247 = tpu.memref_slice %arg5[%dma_start3A_244, %dma_start3A_245, %dma_start3A_246] : memref<3x80x128xf32, #tpu.memory_space<vmem>> -> memref<1x80x128xf32, #tpu.memory_space<vmem>>
      %dma_start3A_248 = tpu.memref_squeeze %dma_start3A_247 : memref<1x80x128xf32, #tpu.memory_space<vmem>> -> memref<80x128xf32, #tpu.memory_space<vmem>>
      %dma_start3A_249 = arith.constant 0 : i32
      %dma_start3A_250 = tpu.memref_slice %arg2[%add3A_243, %dma_start3A_249] : memref<320000x128xf32, #tpu.memory_space<hbm>> -> memref<80x128xf32, #tpu.memory_space<hbm>>
      %dma_start3A_251 = arith.constant 0 : i32
      %dma_start3A_252 = arith.constant 0 : i32
      %dma_start3A_253 = tpu.memref_slice %arg5[%dma_start3A_244, %dma_start3A_251, %dma_start3A_252] : memref<3x80x128xf32, #tpu.memory_space<vmem>> -> memref<1x80x128xf32, #tpu.memory_space<vmem>>
      %dma_start3A_254 = tpu.memref_squeeze %dma_start3A_253 : memref<1x80x128xf32, #tpu.memory_space<vmem>> -> memref<80x128xf32, #tpu.memory_space<vmem>>
      %dma_start3A_255 = arith.constant 0 : i32
      %dma_start3A_256 = tpu.memref_slice %arg2[%add3A_243, %dma_start3A_255] : memref<320000x128xf32, #tpu.memory_space<hbm>> -> memref<80x128xf32, #tpu.memory_space<hbm>>
      tpu.enqueue_dma source(%dma_start3A_256 : memref<80x128xf32, #tpu.memory_space<hbm>>) target(%dma_start3A_254 : memref<80x128xf32, #tpu.memory_space<vmem>>) target_semaphore(%arg10 : memref<!tpu.dma_semaphore, #tpu.memory_space<semaphore_mem>>)
      %mul3A_257 = arith.constant 3 : i32
      %mul3A_258 = arith.muli %mul3A_257, %scan3A_206 : i32
      %add3A_259 = arith.constant 1 : i32
      %add3A_260 = arith.addi %mul3A_258, %add3A_259 : i32
      %dma_wait3A_261 = arith.constant 1 : i32
      %dma_wait3A_262 = arith.constant 0 : i32
      %dma_wait3A_263 = arith.constant 0 : i32
      %dma_wait3A_264 = tpu.memref_slice %arg5[%dma_wait3A_261, %dma_wait3A_262, %dma_wait3A_263] : memref<3x80x128xf32, #tpu.memory_space<vmem>> -> memref<1x80x128xf32, #tpu.memory_space<vmem>>
      %dma_wait3A_265 = tpu.memref_squeeze %dma_wait3A_264 : memref<1x80x128xf32, #tpu.memory_space<vmem>> -> memref<80x128xf32, #tpu.memory_space<vmem>>
      %dma_wait3A_266 = arith.constant 0 : i32
      %dma_wait3A_267 = tpu.memref_slice %arg2[%mul3A_2, %dma_wait3A_266] : memref<320000x128xf32, #tpu.memory_space<hbm>> -> memref<80x128xf32, #tpu.memory_space<hbm>>
      %dma_wait3A_268 = arith.constant 0 : i32
      %dma_wait3A_269 = arith.constant 0 : i32
      %dma_wait3A_270 = tpu.memref_slice %arg5[%dma_wait3A_261, %dma_wait3A_268, %dma_wait3A_269] : memref<3x80x128xf32, #tpu.memory_space<vmem>> -> memref<1x80x128xf32, #tpu.memory_space<vmem>>
      %dma_wait3A_271 = tpu.memref_squeeze %dma_wait3A_270 : memref<1x80x128xf32, #tpu.memory_space<vmem>> -> memref<80x128xf32, #tpu.memory_space<vmem>>
      %dma_wait3A_272 = arith.constant 0 : i32
      %dma_wait3A_273 = tpu.memref_slice %arg2[%mul3A_2, %dma_wait3A_272] : memref<320000x128xf32, #tpu.memory_space<hbm>> -> memref<80x128xf32, #tpu.memory_space<hbm>>
      tpu.wait_dma2 semaphore(%arg9 : memref<!tpu.dma_semaphore, #tpu.memory_space<semaphore_mem>>) src(%dma_wait3A_273 : memref<80x128xf32, #tpu.memory_space<hbm>>) dst(%dma_wait3A_271 : memref<80x128xf32, #tpu.memory_space<vmem>>)
      %dma_start3A_274 = arith.constant 1 : i32
      %dma_start3A_275 = arith.constant 0 : i32
      %dma_start3A_276 = arith.constant 0 : i32
      %dma_start3A_277 = tpu.memref_slice %arg5[%dma_start3A_274, %dma_start3A_275, %dma_start3A_276] : memref<3x80x128xf32, #tpu.memory_space<vmem>> -> memref<1x80x128xf32, #tpu.memory_space<vmem>>
      %dma_start3A_278 = tpu.memref_squeeze %dma_start3A_277 : memref<1x80x128xf32, #tpu.memory_space<vmem>> -> memref<80x128xf32, #tpu.memory_space<vmem>>
      %dma_start3A_279 = arith.constant 0 : i32
      %dma_start3A_280 = tpu.memref_slice %arg6[%add3A_260, %dma_start3A_279] : memref<125x80xi32, #tpu.memory_space<vmem>> -> memref<1x80xi32, #tpu.memory_space<vmem>>
      %dma_start3A_281 = tpu.memref_squeeze %dma_start3A_280 : memref<1x80xi32, #tpu.memory_space<vmem>> -> memref<80xi32, #tpu.memory_space<vmem>>
      %dma_start3A_282 = arith.constant 0 : i32
      %dma_start3A_283 = arith.constant 0 : i32
      %dma_start3A_284 = tpu.memref_slice %arg7[%dma_start3A_282, %dma_start3A_283] : memref<10000x128xf32, #tpu.memory_space<vmem_shared>> -> memref<10000x128xf32, #tpu.memory_space<vmem_shared>>
      tpu.enqueue_indirect_dma source(%dma_start3A_278 : memref<80x128xf32, #tpu.memory_space<vmem>>) target(%dma_start3A_284 : memref<10000x128xf32, #tpu.memory_space<vmem_shared>>) offsets(%dma_start3A_281 : memref<80xi32, #tpu.memory_space<vmem>>) semaphore(%arg12 : memref<!tpu.dma_semaphore, #tpu.memory_space<semaphore_mem>>) {add = true}
      %ge3A_285 = arith.constant 1 : i32
      %ge3A_286 = arith.cmpi sge, %add3A_260, %ge3A_285 : i32
      %convert_element_type3A_287 = arith.extui %ge3A_286 : i1 to i32
      %cond3A_288 = arith.constant 0 : i32
      %cond3A_289 = arith.cmpi ne, %convert_element_type3A_287, %cond3A_288 : i32
      scf.if %cond3A_289 {
        %dma_wait3A_359 = arith.constant 0 : i32
        %dma_wait3A_360 = arith.constant 0 : i32
        %dma_wait3A_361 = arith.constant 0 : i32
        %dma_wait3A_362 = arith.constant 0 : i32
        %dma_wait3A_363 = tpu.memref_slice %arg5[%dma_wait3A_359, %dma_wait3A_361, %dma_wait3A_362] : memref<3x80x128xf32, #tpu.memory_space<vmem>> -> memref<1x80x128xf32, #tpu.memory_space<vmem>>
        %dma_wait3A_364 = tpu.memref_squeeze %dma_wait3A_363 : memref<1x80x128xf32, #tpu.memory_space<vmem>> -> memref<80x128xf32, #tpu.memory_space<vmem>>
        %dma_wait3A_365 = arith.constant 0 : i32
        %dma_wait3A_366 = tpu.memref_slice %arg6[%dma_wait3A_360, %dma_wait3A_365] : memref<125x80xi32, #tpu.memory_space<vmem>> -> memref<1x80xi32, #tpu.memory_space<vmem>>
        %dma_wait3A_367 = tpu.memref_squeeze %dma_wait3A_366 : memref<1x80xi32, #tpu.memory_space<vmem>> -> memref<80xi32, #tpu.memory_space<vmem>>
        %dma_wait3A_368 = arith.constant 0 : i32
        %dma_wait3A_369 = arith.constant 0 : i32
        %dma_wait3A_370 = tpu.memref_slice %arg7[%dma_wait3A_368, %dma_wait3A_369] : memref<10000x128xf32, #tpu.memory_space<vmem_shared>> -> memref<10000x128xf32, #tpu.memory_space<vmem_shared>>
        tpu.wait_indirect_dma semaphore(%arg11 : memref<!tpu.dma_semaphore, #tpu.memory_space<semaphore_mem>>) src(%dma_wait3A_364 : memref<80x128xf32, #tpu.memory_space<vmem>>) dst(%dma_wait3A_370 : memref<10000x128xf32, #tpu.memory_space<vmem_shared>>)
      } else {
      }
      %add3A_290 = arith.constant 2 : i32
      %add3A_291 = arith.addi %add3A_260, %add3A_290 : i32
      %mul3A_292 = arith.constant 80 : i32
      %mul3A_293 = arith.muli %add3A_291, %mul3A_292 : i32
      %add3A_294 = arith.addi %mul3A_2, %mul3A_293 : i32
      %dma_start3A_295 = arith.constant 0 : i32
      %dma_start3A_296 = arith.constant 0 : i32
      %dma_start3A_297 = arith.constant 0 : i32
      %dma_start3A_298 = tpu.memref_slice %arg5[%dma_start3A_295, %dma_start3A_296, %dma_start3A_297] : memref<3x80x128xf32, #tpu.memory_space<vmem>> -> memref<1x80x128xf32, #tpu.memory_space<vmem>>
      %dma_start3A_299 = tpu.memref_squeeze %dma_start3A_298 : memref<1x80x128xf32, #tpu.memory_space<vmem>> -> memref<80x128xf32, #tpu.memory_space<vmem>>
      %dma_start3A_300 = arith.constant 0 : i32
      %dma_start3A_301 = tpu.memref_slice %arg2[%add3A_294, %dma_start3A_300] : memref<320000x128xf32, #tpu.memory_space<hbm>> -> memref<80x128xf32, #tpu.memory_space<hbm>>
      %dma_start3A_302 = arith.constant 0 : i32
      %dma_start3A_303 = arith.constant 0 : i32
      %dma_start3A_304 = tpu.memref_slice %arg5[%dma_start3A_295, %dma_start3A_302, %dma_start3A_303] : memref<3x80x128xf32, #tpu.memory_space<vmem>> -> memref<1x80x128xf32, #tpu.memory_space<vmem>>
      %dma_start3A_305 = tpu.memref_squeeze %dma_start3A_304 : memref<1x80x128xf32, #tpu.memory_space<vmem>> -> memref<80x128xf32, #tpu.memory_space<vmem>>
      %dma_start3A_306 = arith.constant 0 : i32
      %dma_start3A_307 = tpu.memref_slice %arg2[%add3A_294, %dma_start3A_306] : memref<320000x128xf32, #tpu.memory_space<hbm>> -> memref<80x128xf32, #tpu.memory_space<hbm>>
      tpu.enqueue_dma source(%dma_start3A_307 : memref<80x128xf32, #tpu.memory_space<hbm>>) target(%dma_start3A_305 : memref<80x128xf32, #tpu.memory_space<vmem>>) target_semaphore(%arg8 : memref<!tpu.dma_semaphore, #tpu.memory_space<semaphore_mem>>)
      %mul3A_308 = arith.constant 3 : i32
      %mul3A_309 = arith.muli %mul3A_308, %scan3A_206 : i32
      %add3A_310 = arith.constant 2 : i32
      %add3A_311 = arith.addi %mul3A_309, %add3A_310 : i32
      %dma_wait3A_312 = arith.constant 2 : i32
      %dma_wait3A_313 = arith.constant 0 : i32
      %dma_wait3A_314 = arith.constant 0 : i32
      %dma_wait3A_315 = tpu.memref_slice %arg5[%dma_wait3A_312, %dma_wait3A_313, %dma_wait3A_314] : memref<3x80x128xf32, #tpu.memory_space<vmem>> -> memref<1x80x128xf32, #tpu.memory_space<vmem>>
      %dma_wait3A_316 = tpu.memref_squeeze %dma_wait3A_315 : memref<1x80x128xf32, #tpu.memory_space<vmem>> -> memref<80x128xf32, #tpu.memory_space<vmem>>
      %dma_wait3A_317 = arith.constant 0 : i32
      %dma_wait3A_318 = tpu.memref_slice %arg2[%mul3A_2, %dma_wait3A_317] : memref<320000x128xf32, #tpu.memory_space<hbm>> -> memref<80x128xf32, #tpu.memory_space<hbm>>
      %dma_wait3A_319 = arith.constant 0 : i32
      %dma_wait3A_320 = arith.constant 0 : i32
      %dma_wait3A_321 = tpu.memref_slice %arg5[%dma_wait3A_312, %dma_wait3A_319, %dma_wait3A_320] : memref<3x80x128xf32, #tpu.memory_space<vmem>> -> memref<1x80x128xf32, #tpu.memory_space<vmem>>
      %dma_wait3A_322 = tpu.memref_squeeze %dma_wait3A_321 : memref<1x80x128xf32, #tpu.memory_space<vmem>> -> memref<80x128xf32, #tpu.memory_space<vmem>>
      %dma_wait3A_323 = arith.constant 0 : i32
      %dma_wait3A_324 = tpu.memref_slice %arg2[%mul3A_2, %dma_wait3A_323] : memref<320000x128xf32, #tpu.memory_space<hbm>> -> memref<80x128xf32, #tpu.memory_space<hbm>>
      tpu.wait_dma2 semaphore(%arg10 : memref<!tpu.dma_semaphore, #tpu.memory_space<semaphore_mem>>) src(%dma_wait3A_324 : memref<80x128xf32, #tpu.memory_space<hbm>>) dst(%dma_wait3A_322 : memref<80x128xf32, #tpu.memory_space<vmem>>)
      %dma_start3A_325 = arith.constant 2 : i32
      %dma_start3A_326 = arith.constant 0 : i32
      %dma_start3A_327 = arith.constant 0 : i32
      %dma_start3A_328 = tpu.memref_slice %arg5[%dma_start3A_325, %dma_start3A_326, %dma_start3A_327] : memref<3x80x128xf32, #tpu.memory_space<vmem>> -> memref<1x80x128xf32, #tpu.memory_space<vmem>>
      %dma_start3A_329 = tpu.memref_squeeze %dma_start3A_328 : memref<1x80x128xf32, #tpu.memory_space<vmem>> -> memref<80x128xf32, #tpu.memory_space<vmem>>
      %dma_start3A_330 = arith.constant 0 : i32
      %dma_start3A_331 = tpu.memref_slice %arg6[%add3A_311, %dma_start3A_330] : memref<125x80xi32, #tpu.memory_space<vmem>> -> memref<1x80xi32, #tpu.memory_space<vmem>>
      %dma_start3A_332 = tpu.memref_squeeze %dma_start3A_331 : memref<1x80xi32, #tpu.memory_space<vmem>> -> memref<80xi32, #tpu.memory_space<vmem>>
      %dma_start3A_333 = arith.constant 0 : i32
      %dma_start3A_334 = arith.constant 0 : i32
      %dma_start3A_335 = tpu.memref_slice %arg7[%dma_start3A_333, %dma_start3A_334] : memref<10000x128xf32, #tpu.memory_space<vmem_shared>> -> memref<10000x128xf32, #tpu.memory_space<vmem_shared>>
      tpu.enqueue_indirect_dma source(%dma_start3A_329 : memref<80x128xf32, #tpu.memory_space<vmem>>) target(%dma_start3A_335 : memref<10000x128xf32, #tpu.memory_space<vmem_shared>>) offsets(%dma_start3A_332 : memref<80xi32, #tpu.memory_space<vmem>>) semaphore(%arg13 : memref<!tpu.dma_semaphore, #tpu.memory_space<semaphore_mem>>) {add = true}
      %ge3A_336 = arith.constant 1 : i32
      %ge3A_337 = arith.cmpi sge, %add3A_311, %ge3A_336 : i32
      %convert_element_type3A_338 = arith.extui %ge3A_337 : i1 to i32
      %cond3A_339 = arith.constant 0 : i32
      %cond3A_340 = arith.cmpi ne, %convert_element_type3A_338, %cond3A_339 : i32
      scf.if %cond3A_340 {
        %dma_wait3A_359 = arith.constant 1 : i32
        %dma_wait3A_360 = arith.constant 0 : i32
        %dma_wait3A_361 = arith.constant 0 : i32
        %dma_wait3A_362 = arith.constant 0 : i32
        %dma_wait3A_363 = tpu.memref_slice %arg5[%dma_wait3A_359, %dma_wait3A_361, %dma_wait3A_362] : memref<3x80x128xf32, #tpu.memory_space<vmem>> -> memref<1x80x128xf32, #tpu.memory_space<vmem>>
        %dma_wait3A_364 = tpu.memref_squeeze %dma_wait3A_363 : memref<1x80x128xf32, #tpu.memory_space<vmem>> -> memref<80x128xf32, #tpu.memory_space<vmem>>
        %dma_wait3A_365 = arith.constant 0 : i32
        %dma_wait3A_366 = tpu.memref_slice %arg6[%dma_wait3A_360, %dma_wait3A_365] : memref<125x80xi32, #tpu.memory_space<vmem>> -> memref<1x80xi32, #tpu.memory_space<vmem>>
        %dma_wait3A_367 = tpu.memref_squeeze %dma_wait3A_366 : memref<1x80xi32, #tpu.memory_space<vmem>> -> memref<80xi32, #tpu.memory_space<vmem>>
        %dma_wait3A_368 = arith.constant 0 : i32
        %dma_wait3A_369 = arith.constant 0 : i32
        %dma_wait3A_370 = tpu.memref_slice %arg7[%dma_wait3A_368, %dma_wait3A_369] : memref<10000x128xf32, #tpu.memory_space<vmem_shared>> -> memref<10000x128xf32, #tpu.memory_space<vmem_shared>>
        tpu.wait_indirect_dma semaphore(%arg12 : memref<!tpu.dma_semaphore, #tpu.memory_space<semaphore_mem>>) src(%dma_wait3A_364 : memref<80x128xf32, #tpu.memory_space<vmem>>) dst(%dma_wait3A_370 : memref<10000x128xf32, #tpu.memory_space<vmem_shared>>)
      } else {
      }
      %add3A_341 = arith.constant 2 : i32
      %add3A_342 = arith.addi %add3A_311, %add3A_341 : i32
      %mul3A_343 = arith.constant 80 : i32
      %mul3A_344 = arith.muli %add3A_342, %mul3A_343 : i32
      %add3A_345 = arith.addi %mul3A_2, %mul3A_344 : i32
      %dma_start3A_346 = arith.constant 1 : i32
      %dma_start3A_347 = arith.constant 0 : i32
      %dma_start3A_348 = arith.constant 0 : i32
      %dma_start3A_349 = tpu.memref_slice %arg5[%dma_start3A_346, %dma_start3A_347, %dma_start3A_348] : memref<3x80x128xf32, #tpu.memory_space<vmem>> -> memref<1x80x128xf32, #tpu.memory_space<vmem>>
      %dma_start3A_350 = tpu.memref_squeeze %dma_start3A_349 : memref<1x80x128xf32, #tpu.memory_space<vmem>> -> memref<80x128xf32, #tpu.memory_space<vmem>>
      %dma_start3A_351 = arith.constant 0 : i32
      %dma_start3A_352 = tpu.memref_slice %arg2[%add3A_345, %dma_start3A_351] : memref<320000x128xf32, #tpu.memory_space<hbm>> -> memref<80x128xf32, #tpu.memory_space<hbm>>
      %dma_start3A_353 = arith.constant 0 : i32
      %dma_start3A_354 = arith.constant 0 : i32
      %dma_start3A_355 = tpu.memref_slice %arg5[%dma_start3A_346, %dma_start3A_353, %dma_start3A_354] : memref<3x80x128xf32, #tpu.memory_space<vmem>> -> memref<1x80x128xf32, #tpu.memory_space<vmem>>
      %dma_start3A_356 = tpu.memref_squeeze %dma_start3A_355 : memref<1x80x128xf32, #tpu.memory_space<vmem>> -> memref<80x128xf32, #tpu.memory_space<vmem>>
      %dma_start3A_357 = arith.constant 0 : i32
      %dma_start3A_358 = tpu.memref_slice %arg2[%add3A_345, %dma_start3A_357] : memref<320000x128xf32, #tpu.memory_space<hbm>> -> memref<80x128xf32, #tpu.memory_space<hbm>>
      tpu.enqueue_dma source(%dma_start3A_358 : memref<80x128xf32, #tpu.memory_space<hbm>>) target(%dma_start3A_356 : memref<80x128xf32, #tpu.memory_space<vmem>>) target_semaphore(%arg9 : memref<!tpu.dma_semaphore, #tpu.memory_space<semaphore_mem>>)
    }
    %scan3A_110 = arith.constant 41 : i32
    %dma_wait3A = arith.constant 0 : i32
    %dma_wait3A_111 = arith.constant 0 : i32
    %dma_wait3A_112 = arith.constant 0 : i32
    %dma_wait3A_113 = tpu.memref_slice %arg5[%dma_wait3A, %dma_wait3A_111, %dma_wait3A_112] : memref<3x80x128xf32, #tpu.memory_space<vmem>> -> memref<1x80x128xf32, #tpu.memory_space<vmem>>
    %dma_wait3A_114 = tpu.memref_squeeze %dma_wait3A_113 : memref<1x80x128xf32, #tpu.memory_space<vmem>> -> memref<80x128xf32, #tpu.memory_space<vmem>>
    %dma_wait3A_115 = arith.constant 0 : i32
    %dma_wait3A_116 = tpu.memref_slice %arg2[%mul3A_2, %dma_wait3A_115] : memref<320000x128xf32, #tpu.memory_space<hbm>> -> memref<80x128xf32, #tpu.memory_space<hbm>>
    %dma_wait3A_117 = arith.constant 0 : i32
    %dma_wait3A_118 = arith.constant 0 : i32
    %dma_wait3A_119 = tpu.memref_slice %arg5[%dma_wait3A, %dma_wait3A_117, %dma_wait3A_118] : memref<3x80x128xf32, #tpu.memory_space<vmem>> -> memref<1x80x128xf32, #tpu.memory_space<vmem>>
    %dma_wait3A_120 = tpu.memref_squeeze %dma_wait3A_119 : memref<1x80x128xf32, #tpu.memory_space<vmem>> -> memref<80x128xf32, #tpu.memory_space<vmem>>
    %dma_wait3A_121 = arith.constant 0 : i32
    %dma_wait3A_122 = tpu.memref_slice %arg2[%mul3A_2, %dma_wait3A_121] : memref<320000x128xf32, #tpu.memory_space<hbm>> -> memref<80x128xf32, #tpu.memory_space<hbm>>
    tpu.wait_dma2 semaphore(%arg8 : memref<!tpu.dma_semaphore, #tpu.memory_space<semaphore_mem>>) src(%dma_wait3A_122 : memref<80x128xf32, #tpu.memory_space<hbm>>) dst(%dma_wait3A_120 : memref<80x128xf32, #tpu.memory_space<vmem>>)
    %dma_start3A_123 = arith.constant 0 : i32
    %dma_start3A_124 = arith.constant 123 : i32
    %dma_start3A_125 = arith.constant 0 : i32
    %dma_start3A_126 = arith.constant 0 : i32
    %dma_start3A_127 = tpu.memref_slice %arg5[%dma_start3A_123, %dma_start3A_125, %dma_start3A_126] : memref<3x80x128xf32, #tpu.memory_space<vmem>> -> memref<1x80x128xf32, #tpu.memory_space<vmem>>
    %dma_start3A_128 = tpu.memref_squeeze %dma_start3A_127 : memref<1x80x128xf32, #tpu.memory_space<vmem>> -> memref<80x128xf32, #tpu.memory_space<vmem>>
    %dma_start3A_129 = arith.constant 0 : i32
    %dma_start3A_130 = tpu.memref_slice %arg6[%dma_start3A_124, %dma_start3A_129] : memref<125x80xi32, #tpu.memory_space<vmem>> -> memref<1x80xi32, #tpu.memory_space<vmem>>
    %dma_start3A_131 = tpu.memref_squeeze %dma_start3A_130 : memref<1x80xi32, #tpu.memory_space<vmem>> -> memref<80xi32, #tpu.memory_space<vmem>>
    %dma_start3A_132 = arith.constant 0 : i32
    %dma_start3A_133 = arith.constant 0 : i32
    %dma_start3A_134 = tpu.memref_slice %arg7[%dma_start3A_132, %dma_start3A_133] : memref<10000x128xf32, #tpu.memory_space<vmem_shared>> -> memref<10000x128xf32, #tpu.memory_space<vmem_shared>>
    tpu.enqueue_indirect_dma source(%dma_start3A_128 : memref<80x128xf32, #tpu.memory_space<vmem>>) target(%dma_start3A_134 : memref<10000x128xf32, #tpu.memory_space<vmem_shared>>) offsets(%dma_start3A_131 : memref<80xi32, #tpu.memory_space<vmem>>) semaphore(%arg11 : memref<!tpu.dma_semaphore, #tpu.memory_space<semaphore_mem>>) {add = true}
    %dma_wait3A_135 = arith.constant 2 : i32
    %dma_wait3A_136 = arith.constant 0 : i32
    %dma_wait3A_137 = arith.constant 0 : i32
    %dma_wait3A_138 = arith.constant 0 : i32
    %dma_wait3A_139 = tpu.memref_slice %arg5[%dma_wait3A_135, %dma_wait3A_137, %dma_wait3A_138] : memref<3x80x128xf32, #tpu.memory_space<vmem>> -> memref<1x80x128xf32, #tpu.memory_space<vmem>>
    %dma_wait3A_140 = tpu.memref_squeeze %dma_wait3A_139 : memref<1x80x128xf32, #tpu.memory_space<vmem>> -> memref<80x128xf32, #tpu.memory_space<vmem>>
    %dma_wait3A_141 = arith.constant 0 : i32
    %dma_wait3A_142 = tpu.memref_slice %arg6[%dma_wait3A_136, %dma_wait3A_141] : memref<125x80xi32, #tpu.memory_space<vmem>> -> memref<1x80xi32, #tpu.memory_space<vmem>>
    %dma_wait3A_143 = tpu.memref_squeeze %dma_wait3A_142 : memref<1x80xi32, #tpu.memory_space<vmem>> -> memref<80xi32, #tpu.memory_space<vmem>>
    %dma_wait3A_144 = arith.constant 0 : i32
    %dma_wait3A_145 = arith.constant 0 : i32
    %dma_wait3A_146 = tpu.memref_slice %arg7[%dma_wait3A_144, %dma_wait3A_145] : memref<10000x128xf32, #tpu.memory_space<vmem_shared>> -> memref<10000x128xf32, #tpu.memory_space<vmem_shared>>
    tpu.wait_indirect_dma semaphore(%arg13 : memref<!tpu.dma_semaphore, #tpu.memory_space<semaphore_mem>>) src(%dma_wait3A_140 : memref<80x128xf32, #tpu.memory_space<vmem>>) dst(%dma_wait3A_146 : memref<10000x128xf32, #tpu.memory_space<vmem_shared>>)
    %dma_wait3A_147 = arith.constant 1 : i32
    %dma_wait3A_148 = arith.constant 0 : i32
    %dma_wait3A_149 = arith.constant 0 : i32
    %dma_wait3A_150 = tpu.memref_slice %arg5[%dma_wait3A_147, %dma_wait3A_148, %dma_wait3A_149] : memref<3x80x128xf32, #tpu.memory_space<vmem>> -> memref<1x80x128xf32, #tpu.memory_space<vmem>>
    %dma_wait3A_151 = tpu.memref_squeeze %dma_wait3A_150 : memref<1x80x128xf32, #tpu.memory_space<vmem>> -> memref<80x128xf32, #tpu.memory_space<vmem>>
    %dma_wait3A_152 = arith.constant 0 : i32
    %dma_wait3A_153 = tpu.memref_slice %arg2[%mul3A_2, %dma_wait3A_152] : memref<320000x128xf32, #tpu.memory_space<hbm>> -> memref<80x128xf32, #tpu.memory_space<hbm>>
    %dma_wait3A_154 = arith.constant 0 : i32
    %dma_wait3A_155 = arith.constant 0 : i32
    %dma_wait3A_156 = tpu.memref_slice %arg5[%dma_wait3A_147, %dma_wait3A_154, %dma_wait3A_155] : memref<3x80x128xf32, #tpu.memory_space<vmem>> -> memref<1x80x128xf32, #tpu.memory_space<vmem>>
    %dma_wait3A_157 = tpu.memref_squeeze %dma_wait3A_156 : memref<1x80x128xf32, #tpu.memory_space<vmem>> -> memref<80x128xf32, #tpu.memory_space<vmem>>
    %dma_wait3A_158 = arith.constant 0 : i32
    %dma_wait3A_159 = tpu.memref_slice %arg2[%mul3A_2, %dma_wait3A_158] : memref<320000x128xf32, #tpu.memory_space<hbm>> -> memref<80x128xf32, #tpu.memory_space<hbm>>
    tpu.wait_dma2 semaphore(%arg9 : memref<!tpu.dma_semaphore, #tpu.memory_space<semaphore_mem>>) src(%dma_wait3A_159 : memref<80x128xf32, #tpu.memory_space<hbm>>) dst(%dma_wait3A_157 : memref<80x128xf32, #tpu.memory_space<vmem>>)
    %dma_start3A_160 = arith.constant 1 : i32
    %dma_start3A_161 = arith.constant 124 : i32
    %dma_start3A_162 = arith.constant 0 : i32
    %dma_start3A_163 = arith.constant 0 : i32
    %dma_start3A_164 = tpu.memref_slice %arg5[%dma_start3A_160, %dma_start3A_162, %dma_start3A_163] : memref<3x80x128xf32, #tpu.memory_space<vmem>> -> memref<1x80x128xf32, #tpu.memory_space<vmem>>
    %dma_start3A_165 = tpu.memref_squeeze %dma_start3A_164 : memref<1x80x128xf32, #tpu.memory_space<vmem>> -> memref<80x128xf32, #tpu.memory_space<vmem>>
    %dma_start3A_166 = arith.constant 0 : i32
    %dma_start3A_167 = tpu.memref_slice %arg6[%dma_start3A_161, %dma_start3A_166] : memref<125x80xi32, #tpu.memory_space<vmem>> -> memref<1x80xi32, #tpu.memory_space<vmem>>
    %dma_start3A_168 = tpu.memref_squeeze %dma_start3A_167 : memref<1x80xi32, #tpu.memory_space<vmem>> -> memref<80xi32, #tpu.memory_space<vmem>>
    %dma_start3A_169 = arith.constant 0 : i32
    %dma_start3A_170 = arith.constant 0 : i32
    %dma_start3A_171 = tpu.memref_slice %arg7[%dma_start3A_169, %dma_start3A_170] : memref<10000x128xf32, #tpu.memory_space<vmem_shared>> -> memref<10000x128xf32, #tpu.memory_space<vmem_shared>>
    tpu.enqueue_indirect_dma source(%dma_start3A_165 : memref<80x128xf32, #tpu.memory_space<vmem>>) target(%dma_start3A_171 : memref<10000x128xf32, #tpu.memory_space<vmem_shared>>) offsets(%dma_start3A_168 : memref<80xi32, #tpu.memory_space<vmem>>) semaphore(%arg12 : memref<!tpu.dma_semaphore, #tpu.memory_space<semaphore_mem>>) {add = true}
    %dma_wait3A_172 = arith.constant 0 : i32
    %dma_wait3A_173 = arith.constant 0 : i32
    %dma_wait3A_174 = arith.constant 0 : i32
    %dma_wait3A_175 = arith.constant 0 : i32
    %dma_wait3A_176 = tpu.memref_slice %arg5[%dma_wait3A_172, %dma_wait3A_174, %dma_wait3A_175] : memref<3x80x128xf32, #tpu.memory_space<vmem>> -> memref<1x80x128xf32, #tpu.memory_space<vmem>>
    %dma_wait3A_177 = tpu.memref_squeeze %dma_wait3A_176 : memref<1x80x128xf32, #tpu.memory_space<vmem>> -> memref<80x128xf32, #tpu.memory_space<vmem>>
    %dma_wait3A_178 = arith.constant 0 : i32
    %dma_wait3A_179 = tpu.memref_slice %arg6[%dma_wait3A_173, %dma_wait3A_178] : memref<125x80xi32, #tpu.memory_space<vmem>> -> memref<1x80xi32, #tpu.memory_space<vmem>>
    %dma_wait3A_180 = tpu.memref_squeeze %dma_wait3A_179 : memref<1x80xi32, #tpu.memory_space<vmem>> -> memref<80xi32, #tpu.memory_space<vmem>>
    %dma_wait3A_181 = arith.constant 0 : i32
    %dma_wait3A_182 = arith.constant 0 : i32
    %dma_wait3A_183 = tpu.memref_slice %arg7[%dma_wait3A_181, %dma_wait3A_182] : memref<10000x128xf32, #tpu.memory_space<vmem_shared>> -> memref<10000x128xf32, #tpu.memory_space<vmem_shared>>
    tpu.wait_indirect_dma semaphore(%arg11 : memref<!tpu.dma_semaphore, #tpu.memory_space<semaphore_mem>>) src(%dma_wait3A_177 : memref<80x128xf32, #tpu.memory_space<vmem>>) dst(%dma_wait3A_183 : memref<10000x128xf32, #tpu.memory_space<vmem_shared>>)
    %dma_wait3A_184 = arith.constant 1 : i32
    %dma_wait3A_185 = arith.constant 0 : i32
    %dma_wait3A_186 = arith.constant 0 : i32
    %dma_wait3A_187 = arith.constant 0 : i32
    %dma_wait3A_188 = tpu.memref_slice %arg5[%dma_wait3A_184, %dma_wait3A_186, %dma_wait3A_187] : memref<3x80x128xf32, #tpu.memory_space<vmem>> -> memref<1x80x128xf32, #tpu.memory_space<vmem>>
    %dma_wait3A_189 = tpu.memref_squeeze %dma_wait3A_188 : memref<1x80x128xf32, #tpu.memory_space<vmem>> -> memref<80x128xf32, #tpu.memory_space<vmem>>
    %dma_wait3A_190 = arith.constant 0 : i32
    %dma_wait3A_191 = tpu.memref_slice %arg6[%dma_wait3A_185, %dma_wait3A_190] : memref<125x80xi32, #tpu.memory_space<vmem>> -> memref<1x80xi32, #tpu.memory_space<vmem>>
    %dma_wait3A_192 = tpu.memref_squeeze %dma_wait3A_191 : memref<1x80xi32, #tpu.memory_space<vmem>> -> memref<80xi32, #tpu.memory_space<vmem>>
    %dma_wait3A_193 = arith.constant 0 : i32
    %dma_wait3A_194 = arith.constant 0 : i32
    %dma_wait3A_195 = tpu.memref_slice %arg7[%dma_wait3A_193, %dma_wait3A_194] : memref<10000x128xf32, #tpu.memory_space<vmem_shared>> -> memref<10000x128xf32, #tpu.memory_space<vmem_shared>>
    tpu.wait_indirect_dma semaphore(%arg12 : memref<!tpu.dma_semaphore, #tpu.memory_space<semaphore_mem>>) src(%dma_wait3A_189 : memref<80x128xf32, #tpu.memory_space<vmem>>) dst(%dma_wait3A_195 : memref<10000x128xf32, #tpu.memory_space<vmem_shared>>)
    %barrier3A_196 = arith.constant 0 : index
    tpu.barrier barrier_id(%barrier3A_196)
    %mul3A_197 = arith.constant 624 : i32
    %mul3A_198 = arith.muli %arg1, %mul3A_197 : i32
    %mul3A_199 = arith.constant 624 : i32
    %mul3A_200 = arith.muli %arg1, %mul3A_199 : i32
    "tpu.region"() ({
      %run_scoped3A_206 = tpu.sem_alloc : memref<!tpu.dma_semaphore, #tpu.memory_space<semaphore_mem>>
      %dma_start3A_207 = arith.constant 0 : i32
      %dma_start3A_208 = tpu.memref_slice %arg4[%arg0, %mul3A_200, %dma_start3A_207] : memref<2x10000x128xf32, #tpu.memory_space<hbm>> -> memref<1x624x128xf32, #tpu.memory_space<hbm>>
      %dma_start3A_209 = tpu.memref_squeeze %dma_start3A_208 : memref<1x624x128xf32, #tpu.memory_space<hbm>> -> memref<624x128xf32, #tpu.memory_space<hbm>>
      %dma_start3A_210 = arith.constant 0 : i32
      %dma_start3A_211 = tpu.memref_slice %arg7[%mul3A_198, %dma_start3A_210] : memref<10000x128xf32, #tpu.memory_space<vmem_shared>> -> memref<624x128xf32, #tpu.memory_space<vmem_shared>>
      tpu.enqueue_dma source(%dma_start3A_211 : memref<624x128xf32, #tpu.memory_space<vmem_shared>>) target(%dma_start3A_209 : memref<624x128xf32, #tpu.memory_space<hbm>>) target_semaphore(%run_scoped3A_206 : memref<!tpu.dma_semaphore, #tpu.memory_space<semaphore_mem>>)
      %dma_wait3A_212 = arith.constant 0 : i32
      %dma_wait3A_213 = tpu.memref_slice %arg4[%arg0, %mul3A_200, %dma_wait3A_212] : memref<2x10000x128xf32, #tpu.memory_space<hbm>> -> memref<1x624x128xf32, #tpu.memory_space<hbm>>
      %dma_wait3A_214 = tpu.memref_squeeze %dma_wait3A_213 : memref<1x624x128xf32, #tpu.memory_space<hbm>> -> memref<624x128xf32, #tpu.memory_space<hbm>>
      %dma_wait3A_215 = arith.constant 0 : i32
      %dma_wait3A_216 = tpu.memref_slice %arg7[%mul3A_198, %dma_wait3A_215] : memref<10000x128xf32, #tpu.memory_space<vmem_shared>> -> memref<624x128xf32, #tpu.memory_space<vmem_shared>>
      tpu.wait_dma2 semaphore(%run_scoped3A_206 : memref<!tpu.dma_semaphore, #tpu.memory_space<semaphore_mem>>) src(%dma_wait3A_216 : memref<624x128xf32, #tpu.memory_space<vmem_shared>>) dst(%dma_wait3A_214 : memref<624x128xf32, #tpu.memory_space<hbm>>)
      tpu.yield
    }) : () -> ()
    %eq3A_201 = arith.constant 15 : i32
    %eq3A_202 = arith.cmpi eq, %arg1, %eq3A_201 : i32
    %convert_element_type3A_203 = arith.extui %eq3A_202 : i1 to i32
    %cond3A_204 = arith.constant 0 : i32
    %cond3A_205 = arith.cmpi ne, %convert_element_type3A_203, %cond3A_204 : i32
    scf.if %cond3A_205 {
      "tpu.region"() ({
        %run_scoped3A_206 = tpu.sem_alloc : memref<!tpu.dma_semaphore, #tpu.memory_space<semaphore_mem>>
        %dma_start3A_207 = arith.constant 9984 : i32
        %dma_start3A_208 = arith.constant 0 : i32
        %dma_start3A_209 = tpu.memref_slice %arg4[%arg0, %dma_start3A_207, %dma_start3A_208] : memref<2x10000x128xf32, #tpu.memory_space<hbm>> -> memref<1x16x128xf32, #tpu.memory_space<hbm>>
        %dma_start3A_210 = tpu.memref_squeeze %dma_start3A_209 : memref<1x16x128xf32, #tpu.memory_space<hbm>> -> memref<16x128xf32, #tpu.memory_space<hbm>>
        %dma_start3A_211 = arith.constant 9984 : i32
        %dma_start3A_212 = arith.constant 0 : i32
        %dma_start3A_213 = tpu.memref_slice %arg7[%dma_start3A_211, %dma_start3A_212] : memref<10000x128xf32, #tpu.memory_space<vmem_shared>> -> memref<16x128xf32, #tpu.memory_space<vmem_shared>>
        tpu.enqueue_dma source(%dma_start3A_213 : memref<16x128xf32, #tpu.memory_space<vmem_shared>>) target(%dma_start3A_210 : memref<16x128xf32, #tpu.memory_space<hbm>>) target_semaphore(%run_scoped3A_206 : memref<!tpu.dma_semaphore, #tpu.memory_space<semaphore_mem>>)
        %dma_wait3A_214 = arith.constant 9984 : i32
        %dma_wait3A_215 = arith.constant 0 : i32
        %dma_wait3A_216 = tpu.memref_slice %arg4[%arg0, %dma_wait3A_214, %dma_wait3A_215] : memref<2x10000x128xf32, #tpu.memory_space<hbm>> -> memref<1x16x128xf32, #tpu.memory_space<hbm>>
        %dma_wait3A_217 = tpu.memref_squeeze %dma_wait3A_216 : memref<1x16x128xf32, #tpu.memory_space<hbm>> -> memref<16x128xf32, #tpu.memory_space<hbm>>
        %dma_wait3A_218 = arith.constant 9984 : i32
        %dma_wait3A_219 = arith.constant 0 : i32
        %dma_wait3A_220 = tpu.memref_slice %arg7[%dma_wait3A_218, %dma_wait3A_219] : memref<10000x128xf32, #tpu.memory_space<vmem_shared>> -> memref<16x128xf32, #tpu.memory_space<vmem_shared>>
        tpu.wait_dma2 semaphore(%run_scoped3A_206 : memref<!tpu.dma_semaphore, #tpu.memory_space<semaphore_mem>>) src(%dma_wait3A_220 : memref<16x128xf32, #tpu.memory_space<vmem_shared>>) dst(%dma_wait3A_217 : memref<16x128xf32, #tpu.memory_space<hbm>>)
        tpu.yield
      }) : () -> ()
    } else {
    }
    return
  }
}

module attributes {stable_mosaic.version = 14 : i64} {
  func.func @_mlp_body(%arg0: i32, %arg1: memref<2x5000x128xf32, #tpu.memory_space<vmem>>, %arg2: memref<5000x128xf32, #tpu.memory_space<vmem>>, %arg3: memref<128x128xf32, #tpu.memory_space<vmem>>, %arg4: memref<1x128xf32, #tpu.memory_space<vmem>>, %arg5: memref<128x128xf32, #tpu.memory_space<vmem>>, %arg6: memref<1x128xf32, #tpu.memory_space<vmem>>, %arg7: memref<128x256xf32, #tpu.memory_space<vmem>>, %arg8: memref<1x128xf32, #tpu.memory_space<vmem>>, %arg9: memref<5000x128xf32, #tpu.memory_space<vmem>>) attributes {dimension_semantics = [#tpu.dimension_semantics<arbitrary>], iteration_bounds = array<i64: 2>, scalar_prefetch = 0 : i64, scratch_operands = 0 : i64, tpu.core_type = #tpu.core_type<tc>, window_params = [{transform_indices = @transform_0, window_bounds = array<i64: 2, 5000, 128>}, {transform_indices = @transform_1, window_bounds = array<i64: 5000, 128>}, {pipeline_mode = #tpu.pipeline_mode<synchronous>, transform_indices = @transform_2, window_bounds = array<i64: 128, 128>}, {pipeline_mode = #tpu.pipeline_mode<synchronous>, transform_indices = @transform_3, window_bounds = array<i64: 1, 128>}, {pipeline_mode = #tpu.pipeline_mode<synchronous>, transform_indices = @transform_4, window_bounds = array<i64: 128, 128>}, {pipeline_mode = #tpu.pipeline_mode<synchronous>, transform_indices = @transform_5, window_bounds = array<i64: 1, 128>}, {pipeline_mode = #tpu.pipeline_mode<synchronous>, transform_indices = @transform_6, window_bounds = array<i64: 128, 256>}, {pipeline_mode = #tpu.pipeline_mode<synchronous>, transform_indices = @transform_7, window_bounds = array<i64: 1, 128>}, {transform_indices = @transform_8, window_bounds = array<i64: 5000, 128>}]} {
    %get3A = arith.constant 0 : index
    %get3A_0 = arith.constant 0 : index
    %get3A_1 = arith.constant 0 : index
    %get3A_2 = vector.load %arg1[%get3A, %get3A_0, %get3A_1] : memref<2x5000x128xf32, #tpu.memory_space<vmem>>, vector<1x5000x128xf32>
    %get3A_3 = vector.shape_cast %get3A_2 : vector<1x5000x128xf32> to vector<5000x128xf32>
    %get3A_4 = arith.constant 1 : index
    %get3A_5 = arith.constant 0 : index
    %get3A_6 = arith.constant 0 : index
    %get3A_7 = vector.load %arg1[%get3A_4, %get3A_5, %get3A_6] : memref<2x5000x128xf32, #tpu.memory_space<vmem>>, vector<1x5000x128xf32>
    %get3A_8 = vector.shape_cast %get3A_7 : vector<1x5000x128xf32> to vector<5000x128xf32>
    %add3A = arith.addf %get3A_3, %get3A_8 : vector<5000x128xf32>
    %get3A_9 = arith.constant 0 : index
    %get3A_10 = arith.constant 0 : index
    %get3A_11 = vector.load %arg3[%get3A_9, %get3A_10] : memref<128x128xf32, #tpu.memory_space<vmem>>, vector<128x128xf32>
    %dot_general3A = arith.constant dense<0.000000e+00> : vector<5000x128xf32>
    %dot_general3A_12 = tpu.matmul %add3A, %get3A_11, %dot_general3A {dimension_numbers = #tpu.dot_dimension_numbers<[1], [1], [0], [0], [0, 0, 1, 0], [], []>, transpose_lhs_hint = false} : vector<5000x128xf32>, vector<128x128xf32>, vector<5000x128xf32> -> vector<5000x128xf32>
    %get3A_13 = arith.constant 0 : index
    %get3A_14 = arith.constant 0 : index
    %get3A_15 = vector.load %arg4[%get3A_13, %get3A_14] : memref<1x128xf32, #tpu.memory_space<vmem>>, vector<1x128xf32>
    %add3A_16 = vector.broadcast %get3A_15 : vector<1x128xf32> to vector<5000x128xf32>
    %add3A_17 = arith.addf %dot_general3A_12, %add3A_16 : vector<5000x128xf32>
    %max3A = arith.constant 0.000000e+00 : f32
    %max3A_18 = vector.broadcast %max3A : f32 to vector<5000x128xf32>
    %max3A_19 = arith.maximumf %add3A_17, %max3A_18 : vector<5000x128xf32>
    %abs3A = math.absf %add3A_17 : vector<5000x128xf32>
    %neg3A = arith.constant 0.000000e+00 : f32
    %neg3A_20 = vector.broadcast %neg3A : f32 to vector<5000x128xf32>
    %neg3A_21 = arith.subf %neg3A_20, %abs3A : vector<5000x128xf32>
    %exp3A = math.exp %neg3A_21 : vector<5000x128xf32>
    %log1p3A = math.log1p %exp3A : vector<5000x128xf32>
    %add3A_22 = arith.addf %max3A_19, %log1p3A : vector<5000x128xf32>
    %sub3A = arith.constant 0.693147182 : f32
    %sub3A_23 = vector.broadcast %sub3A : f32 to vector<5000x128xf32>
    %sub3A_24 = arith.subf %add3A_22, %sub3A_23 : vector<5000x128xf32>
    %get3A_25 = arith.constant 0 : index
    %get3A_26 = arith.constant 0 : index
    %get3A_27 = vector.load %arg5[%get3A_25, %get3A_26] : memref<128x128xf32, #tpu.memory_space<vmem>>, vector<128x128xf32>
    %dot_general3A_28 = arith.constant dense<0.000000e+00> : vector<5000x128xf32>
    %dot_general3A_29 = tpu.matmul %sub3A_24, %get3A_27, %dot_general3A_28 {dimension_numbers = #tpu.dot_dimension_numbers<[1], [1], [0], [0], [0, 0, 1, 0], [], []>, transpose_lhs_hint = false} : vector<5000x128xf32>, vector<128x128xf32>, vector<5000x128xf32> -> vector<5000x128xf32>
    %get3A_30 = arith.constant 0 : index
    %get3A_31 = arith.constant 0 : index
    %get3A_32 = vector.load %arg6[%get3A_30, %get3A_31] : memref<1x128xf32, #tpu.memory_space<vmem>>, vector<1x128xf32>
    %add3A_33 = vector.broadcast %get3A_32 : vector<1x128xf32> to vector<5000x128xf32>
    %add3A_34 = arith.addf %dot_general3A_29, %add3A_33 : vector<5000x128xf32>
    %get3A_35 = arith.constant 0 : index
    %get3A_36 = arith.constant 0 : index
    %get3A_37 = vector.load %arg2[%get3A_35, %get3A_36] : memref<5000x128xf32, #tpu.memory_space<vmem>>, vector<5000x128xf32>
    %get3A_38 = arith.constant 0 : index
    %get3A_39 = arith.constant 0 : index
    %get3A_40 = vector.load %arg7[%get3A_38, %get3A_39] : memref<128x256xf32, #tpu.memory_space<vmem>>, vector<128x128xf32>
    %dot_general3A_41 = arith.constant dense<0.000000e+00> : vector<5000x128xf32>
    %dot_general3A_42 = tpu.matmul %get3A_37, %get3A_40, %dot_general3A_41 {dimension_numbers = #tpu.dot_dimension_numbers<[1], [1], [0], [0], [0, 0, 1, 0], [], []>, transpose_lhs_hint = false} : vector<5000x128xf32>, vector<128x128xf32>, vector<5000x128xf32> -> vector<5000x128xf32>
    %get3A_43 = arith.constant 0 : index
    %get3A_44 = arith.constant 128 : index
    %get3A_45 = vector.load %arg7[%get3A_43, %get3A_44] : memref<128x256xf32, #tpu.memory_space<vmem>>, vector<128x128xf32>
    %dot_general3A_46 = arith.constant dense<0.000000e+00> : vector<5000x128xf32>
    %dot_general3A_47 = tpu.matmul %add3A_34, %get3A_45, %dot_general3A_46 {dimension_numbers = #tpu.dot_dimension_numbers<[1], [1], [0], [0], [0, 0, 1, 0], [], []>, transpose_lhs_hint = false} : vector<5000x128xf32>, vector<128x128xf32>, vector<5000x128xf32> -> vector<5000x128xf32>
    %add3A_48 = arith.addf %dot_general3A_42, %dot_general3A_47 : vector<5000x128xf32>
    %get3A_49 = arith.constant 0 : index
    %get3A_50 = arith.constant 0 : index
    %get3A_51 = vector.load %arg8[%get3A_49, %get3A_50] : memref<1x128xf32, #tpu.memory_space<vmem>>, vector<1x128xf32>
    %add3A_52 = vector.broadcast %get3A_51 : vector<1x128xf32> to vector<5000x128xf32>
    %add3A_53 = arith.addf %add3A_48, %add3A_52 : vector<5000x128xf32>
    %neg3A_54 = arith.constant 0.000000e+00 : f32
    %neg3A_55 = vector.broadcast %neg3A_54 : f32 to vector<5000x128xf32>
    %neg3A_56 = arith.subf %neg3A_55, %add3A_53 : vector<5000x128xf32>
    %exp3A_57 = math.exp %neg3A_56 : vector<5000x128xf32>
    %add3A_58 = arith.constant 1.000000e+00 : f32
    %add3A_59 = vector.broadcast %add3A_58 : f32 to vector<5000x128xf32>
    %add3A_60 = arith.addf %add3A_59, %exp3A_57 : vector<5000x128xf32>
    %div3A = arith.constant 1.000000e+00 : f32
    %div3A_61 = vector.broadcast %div3A : f32 to vector<5000x128xf32>
    %div3A_62 = arith.divf %div3A_61, %add3A_60 : vector<5000x128xf32>
    %mul3A = arith.mulf %div3A_62, %get3A_37 : vector<5000x128xf32>
    %sub3A_63 = arith.constant 1.000000e+00 : f32
    %sub3A_64 = vector.broadcast %sub3A_63 : f32 to vector<5000x128xf32>
    %sub3A_65 = arith.subf %sub3A_64, %div3A_62 : vector<5000x128xf32>
    %mul3A_66 = arith.mulf %sub3A_65, %add3A_34 : vector<5000x128xf32>
    %add3A_67 = arith.addf %mul3A, %mul3A_66 : vector<5000x128xf32>
    %swap3A = arith.constant 0 : index
    %swap3A_68 = arith.constant 0 : index
    %swap3A_69 = vector.load %arg9[%swap3A, %swap3A_68] : memref<5000x128xf32, #tpu.memory_space<vmem>>, vector<5000x128xf32>
    tpu.vector_store %arg9[%swap3A, %swap3A_68], %add3A_67 {strides = array<i32>} : memref<5000x128xf32, #tpu.memory_space<vmem>>, vector<5000x128xf32>,
    return
  }
  func.func @transform_0(%arg0: i32) -> (i32, i32, i32) {
    %c0_i32 = arith.constant 0 : i32
    %c0_i32_0 = arith.constant 0 : i32
    %c0_i32_1 = arith.constant 0 : i32
    return %c0_i32, %arg0, %c0_i32_0 : i32, i32, i32
  }
  func.func @transform_1(%arg0: i32) -> (i32, i32) {
    %c0_i32 = arith.constant 0 : i32
    %c0_i32_0 = arith.constant 0 : i32
    return %arg0, %c0_i32 : i32, i32
  }
  func.func @transform_2(%arg0: i32) -> (i32, i32) {
    %c0_i32 = arith.constant 0 : i32
    %c0_i32_0 = arith.constant 0 : i32
    %c0_i32_1 = arith.constant 0 : i32
    return %c0_i32, %c0_i32_0 : i32, i32
  }
  func.func @transform_3(%arg0: i32) -> (i32, i32) {
    %c0_i32 = arith.constant 0 : i32
    %c0_i32_0 = arith.constant 0 : i32
    %c0_i32_1 = arith.constant 0 : i32
    return %c0_i32, %c0_i32_0 : i32, i32
  }
  func.func @transform_4(%arg0: i32) -> (i32, i32) {
    %c0_i32 = arith.constant 0 : i32
    %c0_i32_0 = arith.constant 0 : i32
    %c0_i32_1 = arith.constant 0 : i32
    return %c0_i32, %c0_i32_0 : i32, i32
  }
  func.func @transform_5(%arg0: i32) -> (i32, i32) {
    %c0_i32 = arith.constant 0 : i32
    %c0_i32_0 = arith.constant 0 : i32
    %c0_i32_1 = arith.constant 0 : i32
    return %c0_i32, %c0_i32_0 : i32, i32
  }
  func.func @transform_6(%arg0: i32) -> (i32, i32) {
    %c0_i32 = arith.constant 0 : i32
    %c0_i32_0 = arith.constant 0 : i32
    %c0_i32_1 = arith.constant 0 : i32
    return %c0_i32, %c0_i32_0 : i32, i32
  }
  func.func @transform_7(%arg0: i32) -> (i32, i32) {
    %c0_i32 = arith.constant 0 : i32
    %c0_i32_0 = arith.constant 0 : i32
    %c0_i32_1 = arith.constant 0 : i32
    return %c0_i32, %c0_i32_0 : i32, i32
  }
  func.func @transform_8(%arg0: i32) -> (i32, i32) {
    %c0_i32 = arith.constant 0 : i32
    %c0_i32_0 = arith.constant 0 : i32
    return %arg0, %c0_i32 : i32, i32
  }
}

</mosaic_0001>

<sc_bundles>
// kernel: kernel.4.cloned.1.call-start
scs
__scs_entry_jumppad:
0x0: {  	(pc) =	sbr.rel $0x88, $3  }
0x1: {  	(tag) =	ssettag $0x0;
	lr =	simm.s32 $0x1  }
0x2: {  	[smem:$0x3F98] =	sst lr;
	_ =	strace $0xD0000000  }
0x3: {  	_ = 	snop  }
0x4: {  	_ = 	snop  }
0x5: {  	_ = 	snop  }
0x6: {  	_ = 	snop  }
0x7: {  	_ = 	snop  }
__scs_overlays_trampoline_lowered:
0x8: {  	[smem:$0x3FA7] =	sst s0  }
0x9: {  	[smem:$0x3FA8] =	sst s1  }
0xa: {  	[smem:$0x3FA9] =	sst s2  }
0xb: {  	[smem:$0x3FAA] =	sst s3  }
0xc: {  	[smem:$0x3FAB] =	sst s4  }
0xd: {  	[smem:$0x3FAC] =	sst s5  }
0xe: {  	[smem:$0x3FAD] =	sst s6  }
0xf: {  	[smem:$0x3FAE] =	sst s7  }
0x10: {  	[smem:$0x3FAF] =	sst s8  }
0x11: {  	[smem:$0x3FB0] =	sst s9;
	s0 =	simm.s32 @!p0 $0x0  }
0x12: {  	s1 =	sld [smem:$0x3F96];
	s0 =	simm.s32 @p0 $0x1  }
0x13: {  	[smem:$0x3FB1] =	sst s0;
	s0 =	simm.s32 @!p1 $0x0  }
0x14: {  	s2 =	sld [smem:$0x3F95];
	s0 =	simm.s32 @p1 $0x1  }
0x15: {  	[smem:$0x3FB2] =	sst s0;
	s0 =	simm.s32 @!p2 $0x0  }
0x16: {  	s3 =	sld [smem:$0x3FDB];
	s0 =	simm.s32 @p2 $0x1  }
0x17: {  	s4 =	simm.s32 $0x1BF5;
	[smem:$0x3FB4] =	sst s0  }
0x18: {  	s0 =	sld [smem:$0x3F97];
	_ =	swait.ge [sflag:s4], $0x0  }
0x19: {  	s7 =	sld [smem:$0x3F98]  }
0x1a: {  	s8 =	sadd.s32 $0xFFFFE003, lr  }
0x1b: {  	s9 =	sadd.s32 $0xFFFFFEF7, lr;
	s5 =	simm.s32 $0xFFFFFFFF;
	p2 =	slt.u32 s8, $0xFFFFF086  }
0x1c: {  	p1 =	slt.u32 s9, $0xF7A;
	s5 =	simm.s32 @!p2 $0x0  }
0x1d: {  	s5 =	simm.s32 @p1 $0x1;
	p0 =	seq.s32 s7, s2  }
0x1e: {  	s7 =	smul.u32 @!p0 $0xF7A, s2;
	p2 =	seq.s32 @!p0 s5, $0x0  }
0x1f: {  	s9 =	smul.u32 $0xF7A, s1;
	s8 =	simm.s32 @!p0 $0x1BF5;
	p2 =	por !p2, p0  }
0x20: {  	[sflag:s8] =	ssyncset.s32 @!p0 $0xFFFFF086;
	s6 =	sadd.s32 @!p0 s3, s7;
	s7 =	simm.s32 @!p0 $0x108  }
0x21: {  	s3 =	sadd.s32 s3, s9;
	s6 =	sadd.s32 @!p0 $0x88, s6;
	s7 =	simm.s32 @p2 $0x1082  }
0x22: {  	[simem:s7], [sflag:s8] =	dma.local @!p0 [hbm:s6], $0xF7A  }
0x23: {  	s9 =	sor.u32 $0xD0000000, s2;
	s6 =	simm.s32 $0x108;
	_ =	swait.ge @!p0 [sflag:s8], $0x0  }
0x24: {  	s3 =	sadd.s32 $0x88, s3;
	s6 =	simm.s32 @!p1 $0x1082;
	[sflag:s4] =	ssyncset.s32 $0xFFFFF086  }
0x25: {  	[simem:s6], [sflag:s4] =	dma.local [hbm:s3], $0xF7A  }
0x26: {  	[smem:$0x3F98] =	sst s1;
	(tag) =	ssettag s2;
	_ =	strace s9  }
0x27: {  	s1 =	sld [smem:$0x3FA8]  }
0x28: {  	s2 =	sld [smem:$0x3FA9]  }
0x29: {  	s4 =	sld [smem:$0x3FAB]  }
0x2a: {  	p0 =	seq.s32 s5, $0x0;
	s5 =	sld [smem:$0x3FAC]  }
0x2b: {  	s6 =	sld [smem:$0x3FAD]  }
0x2c: {  	s7 =	sld [smem:$0x3FAE]  }
0x2d: {  	s3 =	simm.s32 $0x108;
	s8 =	sld [smem:$0x3FAF]  }
0x2e: {  	s3 =	simm.s32 @!p0 $0x1082;
	s9 =	sld [smem:$0x3FB0]  }
0x2f: {  	lr =	sadd.s32 s0, s3;
	s0 =	sld [smem:$0x3FA7]  }
0x30: {  	s3 =	sld [smem:$0x3FAA]  }
0x31: {  	[smem:$0x3FB3] =	sst s10  }
0x32: {  	s10 =	sld [smem:$0x3FB1];
	_ =	sdelay $0x3  }
0x33: {  	p0 =	seq.s32 s10, $0x1;
	s10 =	sld [smem:$0x3FB3];
	_ =	sdelay $0x3  }
0x34: {  	[smem:$0x3FB3] =	sst s10  }
0x35: {  	s10 =	sld [smem:$0x3FB2];
	_ =	sdelay $0x3  }
0x36: {  	p1 =	seq.s32 s10, $0x1;
	s10 =	sld [smem:$0x3FB3];
	_ =	sdelay $0x3  }
0x37: {  	[smem:$0x3FB3] =	sst s10  }
0x38: {  	s10 =	sld [smem:$0x3FB4]  }
0x39: {  	_ = 	snop;
	(pc) =	sbr.ind lr, $3  }
0x3a: {  	_ = 	snop  }
0x3b: {  	_ = 	snop  }
0x3c: {  	p2 =	seq.s32 s10, $0x1;
	s10 =	sld [smem:$0x3FB3]  }
0x3d: {  	_ =	shalt  }
0x3e: {  	_ =	shalt  }
0x3f: {  	_ =	shalt  }
0x40: {  	_ =	shalt  }
0x41: {  	_ =	shalt  }
0x42: {  	_ =	shalt  }
0x43: {  	_ =	shalt  }
0x44: {  	_ =	shalt  }
0x45: {  	_ =	shalt  }
0x46: {  	_ =	shalt  }
0x47: {  	_ =	shalt  }
0x48: {  	_ =	shalt  }
0x49: {  	_ =	shalt  }
0x4a: {  	_ =	shalt  }
0x4b: {  	_ =	shalt  }
0x4c: {  	_ =	shalt  }
0x4d: {  	_ =	shalt  }
0x4e: {  	_ =	shalt  }
0x4f: {  	_ =	shalt  }
0x50: {  	_ =	shalt  }
0x51: {  	_ =	shalt  }
0x52: {  	_ =	shalt  }
0x53: {  	_ =	shalt  }
0x54: {  	_ =	shalt  }
0x55: {  	_ =	shalt  }
0x56: {  	_ =	shalt  }
0x57: {  	_ =	shalt  }
0x58: {  	_ =	shalt  }
0x59: {  	_ =	shalt  }
0x5a: {  	_ =	shalt  }
0x5b: {  	_ =	shalt  }
0x5c: {  	_ =	shalt  }
0x5d: {  	_ =	shalt  }
0x5e: {  	_ =	shalt  }
0x5f: {  	_ =	shalt  }
0x60: {  	_ =	shalt  }
0x61: {  	_ =	shalt  }
0x62: {  	_ =	shalt  }
0x63: {  	_ =	shalt  }
0x64: {  	_ =	shalt  }
0x65: {  	_ =	shalt  }
0x66: {  	_ =	shalt  }
0x67: {  	_ =	shalt  }
0x68: {  	_ =	shalt  }
0x69: {  	_ =	shalt  }
0x6a: {  	_ =	shalt  }
0x6b: {  	_ =	shalt  }
0x6c: {  	_ =	shalt  }
0x6d: {  	_ =	shalt  }
0x6e: {  	_ =	shalt  }
0x6f: {  	_ =	shalt  }
0x70: {  	_ =	shalt  }
0x71: {  	_ =	shalt  }
0x72: {  	_ =	shalt  }
0x73: {  	_ =	shalt  }
0x74: {  	_ =	shalt  }
0x75: {  	_ =	shalt  }
0x76: {  	_ =	shalt  }
0x77: {  	_ =	shalt  }
0x78: {  	_ =	shalt  }
0x79: {  	_ =	shalt  }
0x7a: {  	_ =	shalt  }
0x7b: {  	_ =	shalt  }
0x7c: {  	_ =	shalt  }
0x7d: {  	_ =	shalt  }
0x7e: {  	_ =	shalt  }
0x7f: {  	_ =	shalt  }
0x80: {  	_ =	shalt  }
0x81: {  	_ =	shalt  }
0x82: {  	_ =	shalt  }
0x83: {  	_ =	shalt  }
0x84: {  	_ =	shalt  }
0x85: {  	_ =	shalt  }
0x86: {  	_ =	shalt  }
0x87: {  	_ =	shalt  }
.Lfunc_end0:
.L_simem_size_0:
called_computation_lowered:
.L_overlay_start_0:
0x88: {  	s2 =	sld [smem:$0x3FD9]  }
0x89: {  	s3 =	sld [smem:$0x3FFE];
	_ =	sdelay $0x1  }
0x8a: {  	s1 =	srdreg.scid  }
0x8b: {  	s0 =	sand.u32 $0x1, s1  }
0x8c: {  	s17 =	sshll.u32 s0, $0xA;
	s2 =	sadd.s32 s3, s2  }
0x8d: {  	s2 =	sadd.s32 s2, s17  }
0x8e: {  	[smem:$0x3FBF] =	sst s2  }
0x8f: {  	_ = 	snop  }
0x90: {  	s2 =	sld [smem:$0x3FC8]  }
0x91: {  	s18 =	sld [smem:$0x3FD0];
	(tm) =	ssettm $0x1  }
0x92: {  	s4 =	sld [smem:$0x3FFB];
	_ =	sdelay $0x3  }
0x93: {  	_ =	strace s4  }
0x94: {  	s4 =	sld [smem:$0x3FFC];
	_ =	sdelay $0x3  }
0x95: {  	_ =	strace s4  }
0x96: {  	s4 =	sld [smem:$0x3FFD];
	_ =	sdelay $0x3  }
0x97: {  	_ =	strace s4  }
0x98: {  	_ =	strace $0x8FFFFFFF  }
0x99: {  	s19 =	sld [smem:$0x3FDB];
	_ =	sdelay $0x1  }
0x9a: {  	s5 =	simm.s32 $_scs_section_size  }
0x9b: {  	s6 =	simm.s32 $_size__tile_overlayer_lowered;
	s7 =	simm.s32 $_tile_overlayer_lowered  }
0x9c: {  	s22 =	simm.s32 $0x1BFF;
	s21 =	sshll.u32 s7, $0x1;
	s4 =	sadd.s32 s5, s19  }
0x9d: {  	s8 =	simm.s32 $0x0;
	s20 =	sshll.u32 s6, $0x1;
	s6 =	sadd.s32 s21, s4  }
0x9e: {  	[timem:s8], [sflag:s22] =	dma.local [hbm:s6], s20  }
0x9f: {  	_ =	swait.ge [sflag:s22], s20  }
0xa0: {  	s5 =	ssub.s32 $0x0, s20;
	[sflag:s22] =	ssyncset.done $0x0  }
0xa1: {  	[sflag:s22] =	ssyncadd.s32 s5;
	_ =	sdelay $0x1  }
0xa2: {  	s23 =	simm.s32 $0x1B8B  }
0xa3: {  	_ =	swait.ge [sflag:s23], $0x1  }
0xa4: {  	[sflag:s23] =	ssyncset.done $0x0  }
0xa5: {  	s25 =	simm.s32 $0x1B8E;
	s24 =	sld [smem:$0x3FFE];
	[sflag:s23] =	ssyncadd.s32 $0xFFFFFFFF  }
0xa6: {  	s26 =	simm.s32 $execute0_lowered;
	[smem:$0x3FD2] =	sst s25  }
0xa7: {  	s6 =	sshll.u32 s26, $0x1;
	_ =	strace $0x80000046;
	[dreg:$0x1] =	wrdreg $0xFFFFFFFF  }
0xa8: {  	s28 =	simm.s32 $_size_execute0_lowered;
	s4 =	sadd.s32 s4, s6;
	[dreg:$0x0] =	wrdreg $0x0  }
0xa9: {  	s6 =	sshll.u32 s28, $0x1;
	[dreg:$0x2] =	wrdreg s4  }
0xaa: {  	[dreg:$0x3] =	wrdreg s6  }
0xab: {  	[dreg:$0x4] =	wrdreg $0xC0  }
0xac: {  	_ =	task [dreg:s8], $0x5FFFF  }
0xad: {  	[dreg:$0x1] =	wrdreg $0xFFFFFFFF  }
0xae: {  	[dreg:$0x0] =	wrdreg $0x60  }
0xaf: {  	[dreg:$0x2] =	wrdreg s2  }
0xb0: {  	[dreg:$0x3] =	wrdreg s18  }
0xb1: {  	[dreg:$0x4] =	wrdreg s24  }
0xb2: {  	[dreg:$0x5] =	wrdreg $0xB8000  }
0xb3: {  	[dreg:$0x6] =	wrdreg $0x9  }
0xb4: {  	_ =	task.clear_ibuf [dreg:s8], $0x7FFFF;
	_ =	strace $0x90000046  }
0xb5: {  	s29 =	simm.s32 $0x9;
	_ =	strace $0x80000048  }
0xb6: {  	_ =	swait.ge [sflag:s29], $0x1  }
0xb7: {  	[sflag:s29] =	ssyncadd.s32 $0xFFFFFFFF  }
0xb8: {  	_ =	strace $0x90000048  }
0xb9: {  	_ =	sfence  }
0xba: {  	s30 =	sld [smem:$0x0];
	_ =	sdelay $0x2  }
0xbb: {  	s31 =	sshll.u32 s1, $0xD;
	s1 =	sshrl.u32 s1, $0x2  }
0xbc: {  	s3 =	sand.u32 $0x4000, s31;
	s1 =	sadd.s32 s1, s30  }
0xbd: {  	s0 =	sor.u32 s3, s0;
	s1 =	sshll.u32 s1, $0x11  }
0xbe: {  	s0 =	sor.u32 s1, s0  }
0xbf: {  	s0 =	sadd.s32 $0x8F2B, s0  }
0xc0: {  	[sflag:s0] =	ssyncadd.remote.s32 $0x1  }
0xc1: {  	_ =	sfence.sel $0xFFFF  }
0xc2: {  	[dreg:$0x0] =	wrdreg $0xFFFFFFFF;
	(pc) =	sbr.abs _section_cstart, $3  }
0xc3: {  	[dreg:$0x1] =	wrdreg $0xFFFFFFFF  }
0xc4: {  	_ =	task.clear_ibuf [dreg:s8], $0x2FFFF;
	_ =	strace $0x9FFFFFFF  }
0xc5: {  	(tm) =	ssettm $0x7FFFFFFF  }
tec
execute0_lowered:
.L_overlay_start_1:
0x0: {  	(tag) =	ssettag $0x1  }
0x1: {  	s0 =	rddreg [dreg:$0x0]  }
0x2: {  	s1 =	rddreg [dreg:$0x1];
	s2 =	srdreg.scid  }
0x3: {  	s13 =	stileid.u32;
	s4 =	rddreg [dreg:$0x2];
	s29 =	simm.s32 $0x2800  }
0x4: {  	s30 =	simm.s32 $0x7800;
	s31 =	simm.s32 $0x7;
	s11 =	smul.u32 $0x4E000, s13  }
0x5: {  	s6 =	sand.u32 $0x1, s2;
	s3 =	sshll.u32 s13, $0x1;
	s22 =	smul.u32 $0x13800, s13  }
0x6: {  	s2 =	rddreg [dreg:$0x3];
	s26 =	smul.u32 $0x4E200, s13;
	s5 =	sor.u32 s6, s3  }
0x7: {  	s12 =	sadd.s32 $0x1400, s4;
	p0 =	sne.s32 s13, $0xF;
	s7 =	smul.u32 $0x27100, s5  }
0x8: {  	s3 =	simm.s32 $0x0;
	s9 =	smul.u32 $0x138800, s5;
	s5 =	sshll.u32 s5, $0xB  }
0x9: {  	s8 =	ssub.s32 $0x2, s6;
	s15 =	sshrl.u32 s11, $0x2;
	s1 =	sadd.s32 s5, s1  }
0xa: {  	[smem:$0x7FF] =	sst s3;
	s5 =	sadd.s32 s15, s2;
	s1 =	sadd.s32 $0x10000, s1  }
0xb: {  	_ =	strace $0x80000047;
	s16 =	sadd.s32 $0x1800, s5;
	[dreg:$0x6] =	wrdreg s1  }
0xc: {  	s19 =	smul.u32 $0x138800, s6;
	s17 =	sadd.s32 $0x3000, s5;
	[dreg:$0x7] =	wrdreg s16  }
0xd: {  	s6 =	smul.u32 $0x27100, s6;
	s18 =	sadd.s32 $0x4800, s5;
	[dreg:$0x8] =	wrdreg s17  }
0xe: {  	s10 =	sshrl.u32 s8, $0x1;
	s20 =	sadd.s32 $0x6000, s5;
	[dreg:$0x9] =	wrdreg s18  }
0xf: {  	s11 =	simm.s32 $0x6;
	s21 =	sadd.s32 $0x7800, s5;
	[dreg:$0xa] =	wrdreg s20  }
0x10: {  	s14 =	sshrl.u32 s9, $0x3;
	s9 =	sadd.s32 $0x9000, s5;
	[dreg:$0xb] =	wrdreg s21  }
0x11: {  	s8 =	ssub.s32 s8, s10;
	s23 =	sadd.s32 $0xA800, s5;
	[dreg:$0xc] =	wrdreg s9  }
0x12: {  	s10 =	simm.s32 $0x5;
	s24 =	sadd.s32 $0xC000, s5;
	[dreg:$0xd] =	wrdreg s23  }
0x13: {  	s4 =	sadd.s32 s0, s7;
	s25 =	sadd.s32 $0xD800, s5;
	[dreg:$0xe] =	wrdreg s24  }
0x14: {  	s7 =	sadd.s32 s0, s14;
	[dreg:$0xf] =	wrdreg s25;
	s17 =	sadd.s32 $0xF000, s5  }
0x15: {  	s1 =	sshrl.u32 s19, $0x3;
	s18 =	sadd.s32 $0x10800, s5;
	s20 =	sadd.s32 $0x12000, s5  }
0x16: {  	s0 =	sadd.s32 s26, s0;
	s21 =	sadd.s32 $0x138000, s2;
	s23 =	smax.u32 s8, $0x1  }
0x17: {  	s25 =	sadd.s32 $0xA00, s4;
	s26 =	sadd.s32 $0xF00, s4;
	s28 =	sadd.s32 $0x1400, s4  }
0x18: {  	s8 =	simm.s32 $0x4;
	s9 =	simm.s32 $0x3;
	s7 =	sadd.s32 $0x500, s7  }
0x19: {  	s1 =	sadd.s32 s12, s1;
	s24 =	sadd.s32 s6, s0;
	s0 =	simm.s32 $0x1  }
0x1a: {  	s6 =	simm.s32 $0x50;
	[dreg:$0x5] =	wrdreg s7;
	s7 =	sadd.s32 s22, s19  }
0x1b: {  	s22 =	sadd.s32 $0x27000, s1;
	s1 =	simm.s32 $0x5000;
	s7 =	sshrl.u32 s7, $0x3  }
0x1c: {  	v0 =	vimm.f32 $0.0e+00;
	s19 =	sadd.s32 s12, s7;
	s7 =	simm.s32 $0x2;
	s12 =	simm.s32 $0x0  }
.LBB2_1:
0x1d: {  	[tilespmem:s3], [sflag:$0x1] =	stream.linear.gather [hbm4b:s4+s3], $0x2800, $0x38;
	[tilespmem:$0x1F080] =	vst v63  }
0x1e: {  	s13 =	rddreg [dreg:$0x5]  }
0x1f: {  	[tilespmem:s29], [sflag:$0x2] =	stream.linear.gather [hbm4b:s13+s3], $0x2800, $0x38;
	[tilespmem:$0x1F080] =	vst v63  }
0x20: {  	s16 =	rddreg [dreg:$0x6]  }
0x21: {  	[tilespmem:s30], [sflag:$0x7] =	stream.linear.gather [hbm4b:s16+s3], $0x3E80, $0x38;
	[tilespmem:$0x1F080] =	vst v63  }
0x22: {  	_ =	swait.ge [sflag:s31], $0x3E80  }
0x23: {  	[sflag:s31] =	ssyncset.done $0x0  }
0x24: {  	s14 =	simm.s32 $0x200;
	s13 =	simm.s32 $0x0;
	[sflag:s31] =	ssyncadd.s32 $0xFFFFC180  }
.LBB2_2:
0x25: {  	p1 =	sne.s32 s14, $0x5E00;
	[tilespmem:s13+$0x5070] =	vst v0  }
0x26: {  	[tilespmem:s13+$0x5000] =	vst v0  }
0x27: {  	[tilespmem:s13+$0x5010] =	vst v0  }
.Ltmp0:
0x28: {  	[tilespmem:s13+$0x5020] =	vst v0;
	(pc) =	sbr.rel @p1 .LBB2_2-.Ltmp0, $4  }
0x29: {  	[tilespmem:s13+$0x5030] =	vst v0  }
0x2a: {  	[tilespmem:s13+$0x5040] =	vst v0  }
0x2b: {  	[tilespmem:s13+$0x5050] =	vst v0  }
0x2c: {  	[tilespmem:s13+$0x5060] =	vst v0;
	s13 =	sshra.s32 s14, $0x2;
	s14 =	sadd.s32 $0x200, s14  }
0x2d: {  	[tilespmem:s13+$0x5070] =	vst v0  }
0x2e: {  	[tilespmem:s13+$0x5000] =	vst v0  }
0x2f: {  	[tilespmem:s13+$0x5010] =	vst v0  }
0x30: {  	[tilespmem:s13+$0x5020] =	vst v0  }
0x31: {  	[tilespmem:s13+$0x5030] =	vst v0  }
0x32: {  	[tilespmem:s13+$0x5040] =	vst v0  }
0x33: {  	[tilespmem:s13+$0x5050] =	vst v0  }
0x34: {  	[tilespmem:s13+$0x5060] =	vst v0  }
0x35: {  	[spmem:s5] =	stream.linear.scatter [tilespmem:s1], [sflag:$0x7], $0x1800, $0x38;
	[tilespmem:$0x1F080] =	vst v63  }
0x36: {  	_ =	swait.ge [sflag:s31], $0x1800  }
0x37: {  	[sflag:s31] =	ssyncset.done $0x0  }
0x38: {  	s15 =	rddreg [dreg:$0x7];
	[sflag:s31] =	ssyncadd.s32 $0xFFFFE800  }
0x39: {  	[spmem:s15] =	stream.linear.scatter [tilespmem:s1], [sflag:$0x7], $0x1800, $0x38;
	[tilespmem:$0x1F080] =	vst v63  }
0x3a: {  	_ =	swait.ge [sflag:s31], $0x1800  }
0x3b: {  	[sflag:s31] =	ssyncset.done $0x0  }
0x3c: {  	s16 =	rddreg [dreg:$0x8];
	[sflag:s31] =	ssyncadd.s32 $0xFFFFE800  }
0x3d: {  	[spmem:s16] =	stream.linear.scatter [tilespmem:s1], [sflag:$0x7], $0x1800, $0x38;
	[tilespmem:$0x1F080] =	vst v63  }
0x3e: {  	_ =	swait.ge [sflag:s31], $0x1800  }
0x3f: {  	[sflag:s31] =	ssyncset.done $0x0  }
0x40: {  	s14 =	rddreg [dreg:$0x9];
	[sflag:s31] =	ssyncadd.s32 $0xFFFFE800  }
0x41: {  	[spmem:s14] =	stream.linear.scatter [tilespmem:s1], [sflag:$0x7], $0x1800, $0x38;
	[tilespmem:$0x1F080] =	vst v63  }
0x42: {  	_ =	swait.ge [sflag:s31], $0x1800  }
0x43: {  	[sflag:s31] =	ssyncset.done $0x0  }
0x44: {  	s15 =	rddreg [dreg:$0xa];
	[sflag:s31] =	ssyncadd.s32 $0xFFFFE800  }
0x45: {  	[spmem:s15] =	stream.linear.scatter [tilespmem:s1], [sflag:$0x7], $0x1800, $0x38;
	[tilespmem:$0x1F080] =	vst v63  }
0x46: {  	_ =	swait.ge [sflag:s31], $0x1800  }
0x47: {  	[sflag:s31] =	ssyncset.done $0x0  }
0x48: {  	s16 =	rddreg [dreg:$0xb];
	[sflag:s31] =	ssyncadd.s32 $0xFFFFE800  }
0x49: {  	[spmem:s16] =	stream.linear.scatter [tilespmem:s1], [sflag:$0x7], $0x1800, $0x38;
	[tilespmem:$0x1F080] =	vst v63  }
0x4a: {  	_ =	swait.ge [sflag:s31], $0x1800  }
0x4b: {  	[sflag:s31] =	ssyncset.done $0x0  }
0x4c: {  	s14 =	rddreg [dreg:$0xc];
	[sflag:s31] =	ssyncadd.s32 $0xFFFFE800  }
0x4d: {  	[spmem:s14] =	stream.linear.scatter [tilespmem:s1], [sflag:$0x7], $0x1800, $0x38;
	[tilespmem:$0x1F080] =	vst v63  }
0x4e: {  	_ =	swait.ge [sflag:s31], $0x1800  }
0x4f: {  	[sflag:s31] =	ssyncset.done $0x0  }
0x50: {  	s15 =	rddreg [dreg:$0xd];
	[sflag:s31] =	ssyncadd.s32 $0xFFFFE800  }
0x51: {  	[spmem:s15] =	stream.linear.scatter [tilespmem:s1], [sflag:$0x7], $0x1800, $0x38;
	[tilespmem:$0x1F080] =	vst v63  }
0x52: {  	_ =	swait.ge [sflag:s31], $0x1800  }
0x53: {  	[sflag:s31] =	ssyncset.done $0x0  }
0x54: {  	s16 =	rddreg [dreg:$0xe];
	[sflag:s31] =	ssyncadd.s32 $0xFFFFE800  }
0x55: {  	[spmem:s16] =	stream.linear.scatter [tilespmem:s1], [sflag:$0x7], $0x1800, $0x38;
	[tilespmem:$0x1F080] =	vst v63  }
0x56: {  	_ =	swait.ge [sflag:s31], $0x1800  }
0x57: {  	[sflag:s31] =	ssyncset.done $0x0  }
0x58: {  	s14 =	rddreg [dreg:$0xf];
	[sflag:s31] =	ssyncadd.s32 $0xFFFFE800  }
0x59: {  	[spmem:s14] =	stream.linear.scatter [tilespmem:s1], [sflag:$0x7], $0x1800, $0x38;
	[tilespmem:$0x1F080] =	vst v63  }
0x5a: {  	_ =	swait.ge [sflag:s31], $0x1800  }
0x5b: {  	[sflag:s31] =	ssyncset.done $0x0  }
0x5c: {  	[sflag:s31] =	ssyncadd.s32 $0xFFFFE800  }
0x5d: {  	[spmem:s17] =	stream.linear.scatter [tilespmem:s1], [sflag:$0x7], $0x1800, $0x38;
	[tilespmem:$0x1F080] =	vst v63  }
0x5e: {  	_ =	swait.ge [sflag:s31], $0x1800  }
0x5f: {  	[sflag:s31] =	ssyncset.done $0x0  }
0x60: {  	[sflag:s31] =	ssyncadd.s32 $0xFFFFE800  }
0x61: {  	[spmem:s18] =	stream.linear.scatter [tilespmem:s1], [sflag:$0x7], $0x1800, $0x38;
	[tilespmem:$0x1F080] =	vst v63  }
0x62: {  	_ =	swait.ge [sflag:s31], $0x1800  }
0x63: {  	[sflag:s31] =	ssyncset.done $0x0  }
0x64: {  	[sflag:s31] =	ssyncadd.s32 $0xFFFFE800  }
0x65: {  	[spmem:s20] =	stream.linear.scatter [tilespmem:s1], [sflag:$0x7], $0x1800, $0x38;
	[tilespmem:$0x1F080] =	vst v63  }
0x66: {  	_ =	swait.ge [sflag:s31], $0x1800  }
0x67: {  	[sflag:s31] =	ssyncset.done $0x0  }
0x68: {  	s13 =	simm.s32 @!p0 $0x5000;
	[sflag:s31] =	ssyncadd.s32 $0xFFFFE800  }
0x69: {  	[spmem:s21] =	stream.linear.scatter @!p0 [tilespmem:s13], [sflag:$0x7], $0x800, $0x38;
	[tilespmem:$0x1F080] =	vst v63  }
0x6a: {  	s13 =	simm.s32 @!p0 $0x7  }
0x6b: {  	_ =	swait.ge @!p0 [sflag:s13], $0x800  }
0x6c: {  	[sflag:s13] =	ssyncset.done @!p0 $0x0  }
0x6d: {  	[sflag:s13] =	ssyncadd.s32 @!p0 $0xFFFFF800  }
0x6e: {  	[bflag:$0x0] =	sbarrier.arrive $0xFFFF  }
0x6f: {  	_ =	swait.ge [sflag:s0], $0x2800  }
0x70: {  	[sflag:s0] =	ssyncset.done $0x0  }
0x71: {  	s15 =	simm.s32 $0x0;
	[sflag:s0] =	ssyncadd.s32 $0xFFFFD800  }
0x72: {  	[spmem:s2] =	stream.indirect.scatter.add.f32 [tilespmem:s15], [sflag:$0x4], $0x80, s30, s6, $0xb8;
	[tilespmem:$0x1F080] =	vst v63  }
0x73: {  	_ = 	snop  }
0x74: {  	[tilespmem:s1], [sflag:$0x3] =	stream.linear.gather [hbm4b:s25+s15], $0x2800, $0x38;
	[tilespmem:$0x1F080] =	vst v63  }
0x75: {  	_ =	swait.ge [sflag:s7], $0x2800  }
0x76: {  	[sflag:s7] =	ssyncset.done $0x0  }
0x77: {  	s14 =	simm.s32 $0x7880;
	[sflag:s7] =	ssyncadd.s32 $0xFFFFD800  }
0x78: {  	[spmem:s2] =	stream.indirect.scatter.add.f32 [tilespmem:s29], [sflag:$0x5], $0x80, s14, s6, $0xb8;
	[tilespmem:$0x1F080] =	vst v63  }
0x79: {  	_ =	swait.ge [sflag:s8], $0x2800  }
0x7a: {  	[sflag:s8] =	ssyncset.done $0x0  }
0x7b: {  	[sflag:s8] =	ssyncadd.s32 $0xFFFFD800  }
0x7c: {  	[tilespmem:s15], [sflag:$0x1] =	stream.linear.gather [hbm4b:s26+s15], $0x2800, $0x38;
	[tilespmem:$0x1F080] =	vst v63  }
0x7d: {  	_ =	swait.ge [sflag:s9], $0x2800  }
0x7e: {  	[sflag:s9] =	ssyncset.done $0x0  }
0x7f: {  	s16 =	simm.s32 $0x7900;
	[sflag:s9] =	ssyncadd.s32 $0xFFFFD800  }
0x80: {  	[spmem:s2] =	stream.indirect.scatter.add.f32 [tilespmem:s1], [sflag:$0x6], $0x80, s16, s6, $0xb8;
	[tilespmem:$0x1F080] =	vst v63  }
0x81: {  	_ =	swait.ge [sflag:s10], $0x2800  }
0x82: {  	[sflag:s10] =	ssyncset.done $0x0  }
0x83: {  	[sflag:s10] =	ssyncadd.s32 $0xFFFFD800  }
0x84: {  	[tilespmem:s29], [sflag:$0x2] =	stream.linear.gather [hbm4b:s28+s15], $0x2800, $0x38;
	[tilespmem:$0x1F080] =	vst v63  }
0x85: {  	_ =	swait.ge [sflag:s0], $0x2800  }
0x86: {  	[sflag:s0] =	ssyncset.done $0x0  }
0x87: {  	s14 =	simm.s32 $0x7980;
	[sflag:s0] =	ssyncadd.s32 $0xFFFFD800  }
0x88: {  	[spmem:s2] =	stream.indirect.scatter.add.f32 [tilespmem:s3], [sflag:$0x4], $0x80, s14, s6, $0xb8;
	[tilespmem:$0x1F080] =	vst v63  }
0x89: {  	_ =	swait.ge [sflag:s11], $0x2800  }
0x8a: {  	s14 =	sadd.s32 $0x0, s24;
	[sflag:s11] =	ssyncset.done $0x0  }
0x8b: {  	s15 =	sadd.s32 $0x1900, s14;
	[sflag:s11] =	ssyncadd.s32 $0xFFFFD800  }
0x8c: {  	[tilespmem:s1], [sflag:$0x3] =	stream.linear.gather [hbm4b:s15+s3], $0x2800, $0x38;
	[tilespmem:$0x1F080] =	vst v63  }
0x8d: {  	_ =	swait.ge [sflag:s7], $0x2800  }
0x8e: {  	[sflag:s7] =	ssyncset.done $0x0  }
0x8f: {  	s16 =	simm.s32 $0x7A00;
	[sflag:s7] =	ssyncadd.s32 $0xFFFFD800  }
0x90: {  	[spmem:s2] =	stream.indirect.scatter.add.f32 [tilespmem:s29], [sflag:$0x5], $0x80, s16, s6, $0xb8;
	[tilespmem:$0x1F080] =	vst v63  }
0x91: {  	_ =	swait.ge [sflag:s8], $0x2800  }
0x92: {  	[sflag:s8] =	ssyncset.done $0x0  }
0x93: {  	s15 =	sadd.s32 $0x1E00, s14;
	[sflag:s8] =	ssyncadd.s32 $0xFFFFD800  }
0x94: {  	[tilespmem:s3], [sflag:$0x1] =	stream.linear.gather [hbm4b:s15+s3], $0x2800, $0x38;
	[tilespmem:$0x1F080] =	vst v63  }
0x95: {  	_ =	swait.ge [sflag:s9], $0x2800  }
0x96: {  	[sflag:s9] =	ssyncset.done $0x0  }
0x97: {  	s16 =	simm.s32 $0x7A80;
	[sflag:s9] =	ssyncadd.s32 $0xFFFFD800  }
0x98: {  	[spmem:s2] =	stream.indirect.scatter.add.f32 [tilespmem:s1], [sflag:$0x6], $0x80, s16, s6, $0xb8;
	[tilespmem:$0x1F080] =	vst v63  }
0x99: {  	_ =	swait.ge [sflag:s10], $0x2800  }
0x9a: {  	s13 =	simm.s32 $0xF00;
	[sflag:s10] =	ssyncset.done $0x0  }
0x9b: {  	s15 =	sadd.s32 $0x2300, s14;
	s14 =	simm.s32 $0x7C00;
	[sflag:s10] =	ssyncadd.s32 $0xFFFFD800  }
.LBB2_4:
0x9c: {  	[tilespmem:s29], [sflag:$0x2] =	stream.linear.gather [hbm4b:s15+s3], $0x2800, $0x38;
	[tilespmem:$0x1F080] =	vst v63  }
0x9d: {  	s15 =	smov.u32 s13  }
0x9e: {  	p1 =	sne.s32 s13, $0x24900;
	s13 =	sadd.s32 $0xF00, s13;
	_ =	swait.ge [sflag:s0], $0x2800  }
0x9f: {  	[sflag:s0] =	ssyncset.done $0x0  }
0xa0: {  	s16 =	sadd.s32 $0xFFFFFF00, s14;
	[sflag:s0] =	ssyncadd.s32 $0xFFFFD800  }
0xa1: {  	[spmem:s2] =	stream.indirect.scatter.add.f32 [tilespmem:s3], [sflag:$0x4], $0x80, s16, s6, $0xb8;
	[tilespmem:$0x1F080] =	vst v63  }
0xa2: {  	_ =	swait.ge [sflag:s11], $0x2800  }
0xa3: {  	s15 =	sadd.s32 s15, s24;
	[sflag:s11] =	ssyncset.done $0x0  }
0xa4: {  	s16 =	sadd.s32 $0x1900, s15;
	[sflag:s11] =	ssyncadd.s32 $0xFFFFD800  }
0xa5: {  	[tilespmem:s1], [sflag:$0x3] =	stream.linear.gather [hbm4b:s16+s3], $0x2800, $0x38;
	[tilespmem:$0x1F080] =	vst v63  }
0xa6: {  	_ =	swait.ge [sflag:s7], $0x2800  }
0xa7: {  	[sflag:s7] =	ssyncset.done $0x0  }
0xa8: {  	s16 =	sadd.s32 $0xFFFFFF80, s14;
	[sflag:s7] =	ssyncadd.s32 $0xFFFFD800  }
0xa9: {  	[spmem:s2] =	stream.indirect.scatter.add.f32 [tilespmem:s29], [sflag:$0x5], $0x80, s16, s6, $0xb8;
	[tilespmem:$0x1F080] =	vst v63  }
0xaa: {  	_ =	swait.ge [sflag:s8], $0x2800  }
0xab: {  	[sflag:s8] =	ssyncset.done $0x0  }
0xac: {  	s16 =	sadd.s32 $0x1E00, s15;
	[sflag:s8] =	ssyncadd.s32 $0xFFFFD800  }
0xad: {  	[tilespmem:s3], [sflag:$0x1] =	stream.linear.gather [hbm4b:s16+s3], $0x2800, $0x38;
	[tilespmem:$0x1F080] =	vst v63  }
0xae: {  	_ =	swait.ge [sflag:s9], $0x2800  }
0xaf: {  	[sflag:s9] =	ssyncset.done $0x0  }
.Ltmp1:
0xb0: {  	[sflag:s9] =	ssyncadd.s32 $0xFFFFD800;
	(pc) =	sbr.rel @p1 .LBB2_4-.Ltmp1, $4  }
0xb1: {  	[spmem:s2] =	stream.indirect.scatter.add.f32 [tilespmem:s1], [sflag:$0x6], $0x80, s14, s6, $0xb8;
	[tilespmem:$0x1F080] =	vst v63  }
0xb2: {  	_ =	swait.ge [sflag:s10], $0x2800  }
0xb3: {  	[sflag:s10] =	ssyncset.done $0x0  }
0xb4: {  	s15 =	sadd.s32 $0x2300, s15;
	s14 =	sadd.s32 $0x180, s14;
	[sflag:s10] =	ssyncadd.s32 $0xFFFFD800  }
0xb5: {  	[tilespmem:s29], [sflag:$0x2] =	stream.linear.gather [hbm4b:s15+s3], $0x2800, $0x38;
	[tilespmem:$0x1F080] =	vst v63  }
0xb6: {  	_ =	swait.ge [sflag:s0], $0x2800  }
0xb7: {  	[sflag:s0] =	ssyncset.done $0x0  }
0xb8: {  	s13 =	simm.s32 $0xB580;
	[sflag:s0] =	ssyncadd.s32 $0xFFFFD800  }
0xb9: {  	[spmem:s2] =	stream.indirect.scatter.add.f32 [tilespmem:s3], [sflag:$0x4], $0x80, s13, s6, $0xb8;
	[tilespmem:$0x1F080] =	vst v63  }
0xba: {  	_ =	swait.ge [sflag:s11], $0x2800  }
0xbb: {  	[sflag:s11] =	ssyncset.done $0x0  }
0xbc: {  	[sflag:s11] =	ssyncadd.s32 $0xFFFFD800  }
0xbd: {  	_ =	swait.ge [sflag:s7], $0x2800  }
0xbe: {  	[sflag:s7] =	ssyncset.done $0x0  }
0xbf: {  	s15 =	simm.s32 $0xB600;
	[sflag:s7] =	ssyncadd.s32 $0xFFFFD800  }
0xc0: {  	[spmem:s2] =	stream.indirect.scatter.add.f32 [tilespmem:s29], [sflag:$0x5], $0x80, s15, s6, $0xb8;
	[tilespmem:$0x1F080] =	vst v63  }
0xc1: {  	_ =	swait.ge [sflag:s8], $0x2800  }
0xc2: {  	[sflag:s8] =	ssyncset.done $0x0  }
0xc3: {  	[sflag:s8] =	ssyncadd.s32 $0xFFFFD800  }
0xc4: {  	_ =	swait.ge [sflag:s10], $0x2800  }
0xc5: {  	s16 =	stileid.u32;
	[sflag:s10] =	ssyncset.done $0x0  }
0xc6: {  	s13 =	sshll.u32 s16, $0x6;
	[sflag:s10] =	ssyncadd.s32 $0xFFFFD800  }
0xc7: {  	s14 =	sshrl.u32 s5, $0x3;
	s13 =	sor.u32 $0x1C07, s13;
	[bflag:$0x0] =	sbarrier.arrive $0xFFFF  }
0xc8: {  	[hbm:s19], [sflag:s13] =	dma.local [spmem:s14], $0x2700  }
0xc9: {  	_ =	swait.ge [sflag:s31], $0x2700  }
0xca: {  	s12 =	sadd.s32 $0x1, s12;
	[sflag:s31] =	ssyncset.done $0x0  }
0xcb: {  	p1 =	sne.s32 s12, s23;
	s14 =	sshrl.u32 @!p0 s21, $0x3;
	[sflag:s31] =	ssyncadd.s32 $0xFFFFD900  }
0xcc: {  	[hbm:s22], [sflag:s13] =	dma.local @!p0 [spmem:s14], $0x100  }
.Ltmp2:
0xcd: {  	_ = 	snop;
	(pc) =	sbr.rel @p1 .LBB2_1-.Ltmp2, $4  }
0xce: {  	s13 =	simm.s32 @!p0 $0x7  }
0xcf: {  	_ =	swait.ge @!p0 [sflag:s13], $0x100  }
0xd0: {  	[sflag:s13] =	ssyncset.done @!p0 $0x0  }
0xd1: {  	[sflag:s13] =	ssyncadd.s32 @!p0 $0xFFFFFF00  }
0xd2: {  	_ =	sfence.sel $0x180000  }
0xd3: {  	[bflag:$0x0] =	sbarrier.arrive $0xFFFF  }
0xd4: {  	_ =	strace $0x90000047  }
0xd5: {  	s0 =	stileid.u32;
	[bflag:$0x2] =	sbarrier.arrive $0xFFFF  }
0xd6: {  	p0 =	sne.s32 s0, $0x0;
	s0 =	rddreg [dreg:$0x4]  }
0xd7: {  	s0 =	sadd.s32 @!p0 $0x100000, s0  }
0xd8: {  	[sflag:s0] =	ssyncadd.tile.s32 @!p0 $0x1;
	_ =	shalt  }
.Lfunc_end2:
_tile_overlayer_lowered:
.L_overlay_start_2:
0xd9: {  	(tag) =	ssettag $0x2  }
0xda: {  	s0 =	rddreg [dreg:$0x0];
	s2 =	stileid.u32  }
0xdb: {  	s1 =	rddreg [dreg:$0x1];
	p0 =	sne.s32 s2, $0x0  }
0xdc: {  	s3 =	rddreg [dreg:$0x2];
	[bflag:$0x3] =	sbarrier.arrive $0xFFFF;
	s2 =	simm.s32 @!p0 $0x1C07  }
0xdd: {  	[timem:s3], [sflag:s2] =	dma.local @!p0 [hbm:s0], s1  }
0xde: {  	s0 =	simm.s32 @!p0 $0x7  }
0xdf: {  	_ =	swait.ge @!p0 [sflag:s0], s1  }
0xe0: {  	s1 =	ssub.s32 @!p0 $0x0, s1;
	[sflag:s0] =	ssyncset.done @!p0 $0x0  }
0xe1: {  	[sflag:s0] =	ssyncadd.s32 @!p0 s1  }
0xe2: {  	[bflag:$0x3] =	sbarrier.arrive $0xFFFF  }
0xe3: {  	_ =	shalt  }

</sc_bundles>
